<compile_context>
chip_gen: v7x
topology: tpu7x:2x2x1
jax: 0.10.2.dev20260603
libtpu: 0.0.44.dev20260713+nightly
codegen_flags: <defaults>
</compile_context>

<pallas_src>
import functools

import jax
import jax.numpy as jnp
from jax import lax
from jax.experimental import pallas as pl
from jax.experimental.pallas import tpu as pltpu, tpu_sc as plsc

N = 10000
E = 160000
DN = 256
DE = 16
LAT = 512
HW = 128

NC = 2
NS = 16
NW = NC * NS
CHUNK = 128
TOTC_E = E // CHUNK
KA = 60
KB = 19
TOTC = NS * (KA + KB)
E_PAD = TOTC * CHUNK
STRIPE = 8 * (-(-N // (NS * 8)))
N_ACC = NS * STRIPE

BE = 4000
BN = 512
N_PAD = -(-N // BN) * BN


def _sc_gather_scatter(node_v, idx2, didx2, ef, zeros_z):
    mesh = plsc.VectorSubcoreMesh(core_axis_name="c", subcore_axis_name="s")

    @functools.partial(
        pl.kernel,
        mesh=mesh,
        compiler_params=pltpu.CompilerParams(use_tc_tiling_on_sc=False),
        out_type=(
            jax.ShapeDtypeStruct((E_PAD, HW), jnp.float32),
            jax.ShapeDtypeStruct((E_PAD, HW), jnp.float32),
            jax.ShapeDtypeStruct((NC, N_ACC, DE), jnp.float32),
        ),
        scratch_types=[
            pltpu.VMEM((KA, CHUNK), jnp.int32),
            pltpu.VMEM((KA, CHUNK), jnp.int32),
            pltpu.VMEM((2, CHUNK, HW), jnp.float32),
            pltpu.VMEM((CHUNK, DE), jnp.float32),
            pltpu.VMEM((STRIPE, DE), jnp.float32),
            pltpu.VMEM_SHARED((N_ACC, DE), jnp.float32),
            pltpu.SemaphoreType.DMA,
            pltpu.SemaphoreType.DMA,
            pltpu.SemaphoreType.DMA,
            pltpu.SemaphoreType.DMA,
            pltpu.SemaphoreType.DMA,
        ],
    )
    def kern(node_hbm, idx_hbm, didx_hbm, edge_hbm, zeros_hbm,
             gsrc_hbm, gdst_hbm, psum_hbm,
             idx_v, didx_v, rows, erows, zbuf, acc,
             sg0, sg1, sw0, sw1, sem_z):
        c = lax.axis_index("c")
        s = lax.axis_index("s")
        cbase = jnp.where(c == 0, s * KA, NS * KA + s * KB)
        kw = jnp.where(c == 0, KA, KB)

        pltpu.sync_copy(idx_hbm.at[pl.ds(cbase, KA)], idx_v)
        pltpu.sync_copy(didx_hbm.at[pl.ds(cbase, KA)], didx_v)
        pltpu.async_copy(zeros_hbm, zbuf, sem_z).wait()
        pltpu.sync_copy(zbuf, acc.at[pl.ds(s * STRIPE, STRIPE)])
        plsc.subcore_barrier()

        gsems = (sg0, sg1)
        wsems = (sw0, sw1)
        outs = (gsrc_hbm, gdst_hbm)

        srcdst = (idx_v, didx_v)

        @pl.loop(0, kw)
        def _loop(jc):
            g = cbase + jc
            off = g * CHUNK
            real = g < TOTC_E
            gs = [pltpu.async_copy(node_hbm.at[srcdst[p].at[jc]],
                                   rows.at[p], gsems[p])
                  for p in range(2)]

            @pl.when(real)
            def _eload():
                pltpu.async_copy(edge_hbm.at[pl.ds(off, CHUNK)], erows,
                                 sem_z).wait()

            ws = []
            for p in range(2):
                gs[p].wait()
                ws.append(pltpu.async_copy(
                    rows.at[p], outs[p].at[pl.ds(off, CHUNK)], wsems[p]))

            @pl.when(real)
            def _scat():
                pltpu.sync_copy(erows, acc.at[didx_v.at[jc]], add=True)

            for w in ws:
                w.wait()

        plsc.subcore_barrier()
        pltpu.sync_copy(acc.at[pl.ds(s * STRIPE, STRIPE)], zbuf)
        pltpu.sync_copy(zbuf, psum_hbm.at[c, pl.ds(s * STRIPE, STRIPE)])

    return kern(node_v, idx2, didx2, ef, zeros_z)


def _edge_mlp(gsrc, gdst, ef, ws, wd, w1x, w2, g, b):
    def body(gs_r, gd_r, ef_r, ws_r, wd_r, w1x_r, w2_r, g_r, b_r, out):
        ef32 = ef_r[...]
        bf = jnp.bfloat16
        f32 = jnp.float32
        gsrc_b = pltpu.bitcast(gs_r[...], bf).reshape(BE, DN)
        gdst_b = pltpu.bitcast(gd_r[...], bf).reshape(BE, DN)
        h = jnp.dot(gsrc_b, ws_r[...], preferred_element_type=f32)
        h = h + jnp.dot(gdst_b, wd_r[...], preferred_element_type=f32)
        h = h + jnp.dot(ef32.astype(bf), w1x_r[...], preferred_element_type=f32)
        h = h * jax.nn.sigmoid(h)
        u = jnp.dot(h.astype(bf), w2_r[...], preferred_element_type=f32)
        mu = jnp.mean(u, axis=-1, keepdims=True)
        var = jnp.mean((u - mu) * (u - mu), axis=-1, keepdims=True)
        y = (u - mu) * lax.rsqrt(var + 1e-5) * g_r[...] + b_r[...]
        out[...] = y + ef32

    grid = (E // BE,)
    return pl.pallas_call(
        body,
        grid=grid,
        in_specs=[
            pl.BlockSpec((BE, HW), lambda i: (i, 0)),
            pl.BlockSpec((BE, HW), lambda i: (i, 0)),
            pl.BlockSpec((BE, DE), lambda i: (i, 0)),
            pl.BlockSpec((DN, LAT), lambda i: (0, 0)),
            pl.BlockSpec((DN, LAT), lambda i: (0, 0)),
            pl.BlockSpec((DE, LAT), lambda i: (0, 0)),
            pl.BlockSpec((LAT, DE), lambda i: (0, 0)),
            pl.BlockSpec((1, DE), lambda i: (0, 0)),
            pl.BlockSpec((1, DE), lambda i: (0, 0)),
        ],
        out_specs=pl.BlockSpec((BE, DE), lambda i: (i, 0)),
        out_shape=jax.ShapeDtypeStruct((E, DE), jnp.float32),
    )(gsrc, gdst, ef, ws, wd, w1x, w2, g, b)


def _node_mlp(nf_pad, p0, p1, w1nn, w1ne, w2, g, b):
    def body(nf, p0_r, p1_r, w1nn_r, w1ne_r, w2_r, g_r, b_r, out):
        nf32 = nf[...]
        bf = jnp.bfloat16
        f32 = jnp.float32
        se = p0_r[...] + p1_r[...]
        h = jnp.dot(nf32.astype(bf), w1nn_r[...], preferred_element_type=f32)
        h = h + jnp.dot(se.astype(bf), w1ne_r[...], preferred_element_type=f32)
        h = h * jax.nn.sigmoid(h)
        u = jnp.dot(h.astype(bf), w2_r[...], preferred_element_type=f32)
        mu = jnp.mean(u, axis=-1, keepdims=True)
        var = jnp.mean((u - mu) * (u - mu), axis=-1, keepdims=True)
        y = (u - mu) * lax.rsqrt(var + 1e-5) * g_r[...] + b_r[...]
        out[...] = y + nf32

    grid = (N_PAD // BN,)
    return pl.pallas_call(
        body,
        grid=grid,
        in_specs=[
            pl.BlockSpec((BN, DN), lambda i: (i, 0)),
            pl.BlockSpec((BN, DE), lambda i: (i, 0)),
            pl.BlockSpec((BN, DE), lambda i: (i, 0)),
            pl.BlockSpec((DN, LAT), lambda i: (0, 0)),
            pl.BlockSpec((DE, LAT), lambda i: (0, 0)),
            pl.BlockSpec((LAT, DN), lambda i: (0, 0)),
            pl.BlockSpec((1, DN), lambda i: (0, 0)),
            pl.BlockSpec((1, DN), lambda i: (0, 0)),
        ],
        out_specs=pl.BlockSpec((BN, DN), lambda i: (i, 0)),
        out_shape=jax.ShapeDtypeStruct((N_PAD, DN), jnp.float32),
    )(nf_pad, p0, p1, w1nn, w1ne, w2, g, b)


def kernel(node_feats, edge_feats, src_idx, dst_idx,
           W1e, W2e, ge, be, W1n, W2n, gn, bn):
    nf = node_feats[0]
    ef = edge_feats[0]
    nf_bf = nf.astype(jnp.bfloat16)
    node_v = lax.bitcast_convert_type(
        jnp.stack([nf_bf[:, :HW], nf_bf[:, HW:]], axis=-1), jnp.float32)

    sidx = jnp.concatenate([src_idx, jnp.zeros((E_PAD - E,), jnp.int32)])
    didx = jnp.concatenate([dst_idx, jnp.zeros((E_PAD - E,), jnp.int32)])
    zpad = jnp.zeros((KA, CHUNK), jnp.int32)
    sidx2 = jnp.concatenate([sidx.reshape(TOTC, CHUNK), zpad], axis=0)
    didx2 = jnp.concatenate([didx.reshape(TOTC, CHUNK), zpad], axis=0)
    zeros_z = jnp.zeros((STRIPE, DE), jnp.float32)

    gsrc, gdst, psum = _sc_gather_scatter(node_v, sidx2, didx2, ef, zeros_z)

    bf = jnp.bfloat16
    out_e = _edge_mlp(
        gsrc, gdst, ef,
        W1e[:DN].astype(bf), W1e[DN:2 * DN].astype(bf),
        W1e[2 * DN:].astype(bf),
        W2e.astype(bf), ge.reshape(1, DE), be.reshape(1, DE))

    nf_pad = jnp.concatenate(
        [nf, jnp.zeros((N_PAD - N, DN), jnp.float32)], axis=0)
    p0 = jnp.concatenate(
        [psum[0, :N], jnp.zeros((N_PAD - N, DE), jnp.float32)], axis=0)
    p1 = jnp.concatenate(
        [psum[1, :N], jnp.zeros((N_PAD - N, DE), jnp.float32)], axis=0)

    out_n = _node_mlp(
        nf_pad, p0, p1,
        W1n[:DN].astype(bf), W1n[DN:].astype(bf),
        W2n.astype(bf), gn.reshape(1, DN), bn.reshape(1, DN))

    return (out_n[:N][None], out_e[None])

# --- scband reference (transcript-rebuilt; emitter-appended) ---
"""Pipeline reference for scband-interaction-layer-36206574305627 (READ-ONLY COPY).

The authoritative reference and input builder live on the scoring server;
editing this copy changes nothing except your own understanding.
"""

import jax, jax.numpy as jnp
import numpy as np

B = 1
N = 10000
E = 160000
D_NODE = 256
D_EDGE = 16
LATENT = 512


def _layernorm(x, g, b, eps=1e-5):
    mu = jnp.mean(x, axis=-1, keepdims=True)
    var = jnp.var(x, axis=-1, keepdims=True)
    return (x - mu) / jnp.sqrt(var + eps) * g + b


def _mlp(x, W1, W2, g, b):
    h = jax.nn.silu(x @ W1)
    return _layernorm(h @ W2, g, b)


def setup_inputs(seed: int = 0):
    key = jax.random.key(seed)
    ks = jax.random.split(key, 10)
    node_feats = jax.random.normal(ks[0], (B, N, D_NODE), dtype=jnp.float32)
    edge_feats = jax.random.normal(ks[1], (B, E, D_EDGE), dtype=jnp.float32)
    src_idx = jax.random.randint(ks[2], (E,), 0, N, dtype=jnp.int32)
    dst_idx = jnp.sort(jax.random.randint(ks[3], (E,), 0, N, dtype=jnp.int32))
    d_e_in = 2 * D_NODE + D_EDGE
    W1e = jax.random.normal(ks[4], (d_e_in, LATENT), dtype=jnp.float32) * (1.0 / np.sqrt(d_e_in))
    W2e = jax.random.normal(ks[5], (LATENT, D_EDGE), dtype=jnp.float32) * (1.0 / np.sqrt(LATENT))
    ge = jnp.ones((D_EDGE,), dtype=jnp.float32)
    be = jnp.zeros((D_EDGE,), dtype=jnp.float32)
    d_n_in = D_NODE + D_EDGE
    W1n = jax.random.normal(ks[6], (d_n_in, LATENT), dtype=jnp.float32) * (1.0 / np.sqrt(d_n_in))
    W2n = jax.random.normal(ks[7], (LATENT, D_NODE), dtype=jnp.float32) * (1.0 / np.sqrt(LATENT))
    gn = jnp.ones((D_NODE,), dtype=jnp.float32)
    bn = jnp.zeros((D_NODE,), dtype=jnp.float32)
    return {"node_feats": node_feats, "edge_feats": edge_feats, "src_idx": src_idx, "dst_idx": dst_idx,
            "W1e": W1e, "W2e": W2e, "ge": ge, "be": be,
            "W1n": W1n, "W2n": W2n, "gn": gn, "bn": bn}


def reference(node_feats, edge_feats, src_idx, dst_idx, W1e, W2e, ge, be, W1n, W2n, gn, bn):
    # is_homo=True: src_node_feats = dst_node_feats = node_feats
    src_feats = jnp.take(node_feats, src_idx, axis=1)
    dst_feats = jnp.take(node_feats, dst_idx, axis=1)
    update_edge_feats = _mlp(jnp.concatenate([src_feats, dst_feats, edge_feats], axis=-1), W1e, W2e, ge, be)
    # scatter(edge_feats, dst_idx, dim=1, reduce='sum') -> [B, N, D_EDGE]
    sum_edge_feats = jnp.zeros((node_feats.shape[0], node_feats.shape[1], edge_feats.shape[-1]),
                               dtype=edge_feats.dtype).at[:, dst_idx, :].add(edge_feats)
    update_dst_feats = _mlp(jnp.concatenate([node_feats, sum_edge_feats], axis=-1), W1n, W2n, gn, bn)
    return (update_dst_feats + node_feats, update_edge_feats + edge_feats)

if __name__ == "__main__":
    import jax
    _d = setup_inputs()
    print(jax.jit(kernel)(*tuple(_d.values())))

</pallas_src>

<mosaic_0001>
#map = affine_map<(d0, d1) -> (0, 0)>
#map1 = affine_map<(d0, d1) -> (0, 0, 0)>
module attributes {stable_mosaic.version = 14 : i64} {
  func.func @kern(%arg0: i32, %arg1: i32, %arg2: memref<10000x128xf32, #tpu.memory_space<hbm>>, %arg3: memref<1324x128xi32, #tpu.memory_space<hbm>>, %arg4: memref<1324x128xi32, #tpu.memory_space<hbm>>, %arg5: memref<160000x16xf32, #tpu.memory_space<hbm>>, %arg6: memref<632x16xf32, #tpu.memory_space<hbm>>, %arg7: memref<161792x128xf32, #tpu.memory_space<hbm>>, %arg8: memref<161792x128xf32, #tpu.memory_space<hbm>>, %arg9: memref<2x10112x16xf32, #tpu.memory_space<hbm>>, %arg10: memref<60x128xi32, #tpu.memory_space<vmem>>, %arg11: memref<60x128xi32, #tpu.memory_space<vmem>>, %arg12: memref<2x128x128xf32, #tpu.memory_space<vmem>>, %arg13: memref<128x16xf32, #tpu.memory_space<vmem>>, %arg14: memref<632x16xf32, #tpu.memory_space<vmem>>, %arg15: memref<10112x16xf32, #tpu.memory_space<vmem_shared>>, %arg16: memref<!tpu.dma_semaphore, #tpu.memory_space<semaphore_mem>>, %arg17: memref<!tpu.dma_semaphore, #tpu.memory_space<semaphore_mem>>, %arg18: memref<!tpu.dma_semaphore, #tpu.memory_space<semaphore_mem>>, %arg19: memref<!tpu.dma_semaphore, #tpu.memory_space<semaphore_mem>>, %arg20: memref<!tpu.dma_semaphore, #tpu.memory_space<semaphore_mem>>) attributes {dimension_semantics = [#tpu.dimension_semantics<core_parallel>, #tpu.dimension_semantics<subcore_parallel>], iteration_bounds = array<i64: 2, 16>, scalar_prefetch = 0 : i64, scratch_operands = 11 : i64, tpu.core_type = #tpu.core_type<sc_vector_subcore>, window_params = [{transform_indices = #map}, {transform_indices = #map}, {transform_indices = #map}, {transform_indices = #map}, {transform_indices = #map}, {transform_indices = #map}, {transform_indices = #map}, {transform_indices = #map1}]} {
    %eq3A = arith.constant 0 : i32
    %eq3A_0 = arith.cmpi eq, %arg0, %eq3A : i32
    %mul3A = arith.constant 60 : i32
    %mul3A_1 = arith.muli %arg1, %mul3A : i32
    %mul3A_2 = arith.constant 19 : i32
    %mul3A_3 = arith.muli %arg1, %mul3A_2 : i32
    %add3A = arith.constant 960 : i32
    %add3A_4 = arith.addi %add3A, %mul3A_3 : i32
    %select_n3A = arith.select %eq3A_0, %mul3A_1, %add3A_4 : i32
    %eq3A_5 = arith.constant 0 : i32
    %eq3A_6 = arith.cmpi eq, %arg0, %eq3A_5 : i32
    %jit3A = arith.constant 60 : i32
    %jit3A_7 = arith.constant 19 : i32
    %select_n3A_8 = arith.select %eq3A_6, %jit3A, %jit3A_7 : i32
    "tpu.region"() ({
      %run_scoped3A = tpu.sem_alloc : memref<!tpu.dma_semaphore, #tpu.memory_space<semaphore_mem>>
      %dma_start3A = arith.constant 0 : i32
      %dma_start3A_32 = tpu.memref_slice %arg3[%select_n3A, %dma_start3A] : memref<1324x128xi32, #tpu.memory_space<hbm>> -> memref<60x128xi32, #tpu.memory_space<hbm>>
      %dma_start3A_33 = arith.constant 0 : i32
      %dma_start3A_34 = tpu.memref_slice %arg3[%select_n3A, %dma_start3A_33] : memref<1324x128xi32, #tpu.memory_space<hbm>> -> memref<60x128xi32, #tpu.memory_space<hbm>>
      tpu.enqueue_dma source(%dma_start3A_34 : memref<60x128xi32, #tpu.memory_space<hbm>>) target(%arg10 : memref<60x128xi32, #tpu.memory_space<vmem>>) target_semaphore(%run_scoped3A : memref<!tpu.dma_semaphore, #tpu.memory_space<semaphore_mem>>)
      %dma_wait3A = arith.constant 0 : i32
      %dma_wait3A_35 = tpu.memref_slice %arg3[%select_n3A, %dma_wait3A] : memref<1324x128xi32, #tpu.memory_space<hbm>> -> memref<60x128xi32, #tpu.memory_space<hbm>>
      %dma_wait3A_36 = arith.constant 0 : i32
      %dma_wait3A_37 = tpu.memref_slice %arg3[%select_n3A, %dma_wait3A_36] : memref<1324x128xi32, #tpu.memory_space<hbm>> -> memref<60x128xi32, #tpu.memory_space<hbm>>
      tpu.wait_dma2 semaphore(%run_scoped3A : memref<!tpu.dma_semaphore, #tpu.memory_space<semaphore_mem>>) src(%dma_wait3A_37 : memref<60x128xi32, #tpu.memory_space<hbm>>) dst(%arg10 : memref<60x128xi32, #tpu.memory_space<vmem>>)
      tpu.yield
    }) : () -> ()
    "tpu.region"() ({
      %run_scoped3A = tpu.sem_alloc : memref<!tpu.dma_semaphore, #tpu.memory_space<semaphore_mem>>
      %dma_start3A = arith.constant 0 : i32
      %dma_start3A_32 = tpu.memref_slice %arg4[%select_n3A, %dma_start3A] : memref<1324x128xi32, #tpu.memory_space<hbm>> -> memref<60x128xi32, #tpu.memory_space<hbm>>
      %dma_start3A_33 = arith.constant 0 : i32
      %dma_start3A_34 = tpu.memref_slice %arg4[%select_n3A, %dma_start3A_33] : memref<1324x128xi32, #tpu.memory_space<hbm>> -> memref<60x128xi32, #tpu.memory_space<hbm>>
      tpu.enqueue_dma source(%dma_start3A_34 : memref<60x128xi32, #tpu.memory_space<hbm>>) target(%arg11 : memref<60x128xi32, #tpu.memory_space<vmem>>) target_semaphore(%run_scoped3A : memref<!tpu.dma_semaphore, #tpu.memory_space<semaphore_mem>>)
      %dma_wait3A = arith.constant 0 : i32
      %dma_wait3A_35 = tpu.memref_slice %arg4[%select_n3A, %dma_wait3A] : memref<1324x128xi32, #tpu.memory_space<hbm>> -> memref<60x128xi32, #tpu.memory_space<hbm>>
      %dma_wait3A_36 = arith.constant 0 : i32
      %dma_wait3A_37 = tpu.memref_slice %arg4[%select_n3A, %dma_wait3A_36] : memref<1324x128xi32, #tpu.memory_space<hbm>> -> memref<60x128xi32, #tpu.memory_space<hbm>>
      tpu.wait_dma2 semaphore(%run_scoped3A : memref<!tpu.dma_semaphore, #tpu.memory_space<semaphore_mem>>) src(%dma_wait3A_37 : memref<60x128xi32, #tpu.memory_space<hbm>>) dst(%arg11 : memref<60x128xi32, #tpu.memory_space<vmem>>)
      tpu.yield
    }) : () -> ()
    tpu.enqueue_dma source(%arg6 : memref<632x16xf32, #tpu.memory_space<hbm>>) target(%arg14 : memref<632x16xf32, #tpu.memory_space<vmem>>) target_semaphore(%arg20 : memref<!tpu.dma_semaphore, #tpu.memory_space<semaphore_mem>>)
    tpu.wait_dma2 semaphore(%arg20 : memref<!tpu.dma_semaphore, #tpu.memory_space<semaphore_mem>>) src(%arg6 : memref<632x16xf32, #tpu.memory_space<hbm>>) dst(%arg14 : memref<632x16xf32, #tpu.memory_space<vmem>>)
    %mul3A_9 = arith.constant 632 : i32
    %mul3A_10 = arith.muli %arg1, %mul3A_9 : i32
    "tpu.region"() ({
      %run_scoped3A = tpu.sem_alloc : memref<!tpu.dma_semaphore, #tpu.memory_space<semaphore_mem>>
      %dma_start3A = arith.constant 0 : i32
      %dma_start3A_32 = tpu.memref_slice %arg15[%mul3A_10, %dma_start3A] : memref<10112x16xf32, #tpu.memory_space<vmem_shared>> -> memref<632x16xf32, #tpu.memory_space<vmem_shared>>
      %dma_start3A_33 = arith.constant 0 : i32
      %dma_start3A_34 = tpu.memref_slice %arg15[%mul3A_10, %dma_start3A_33] : memref<10112x16xf32, #tpu.memory_space<vmem_shared>> -> memref<632x16xf32, #tpu.memory_space<vmem_shared>>
      tpu.enqueue_dma source(%arg14 : memref<632x16xf32, #tpu.memory_space<vmem>>) target(%dma_start3A_34 : memref<632x16xf32, #tpu.memory_space<vmem_shared>>) target_semaphore(%run_scoped3A : memref<!tpu.dma_semaphore, #tpu.memory_space<semaphore_mem>>)
      %dma_wait3A = arith.constant 0 : i32
      %dma_wait3A_35 = tpu.memref_slice %arg15[%mul3A_10, %dma_wait3A] : memref<10112x16xf32, #tpu.memory_space<vmem_shared>> -> memref<632x16xf32, #tpu.memory_space<vmem_shared>>
      %dma_wait3A_36 = arith.constant 0 : i32
      %dma_wait3A_37 = tpu.memref_slice %arg15[%mul3A_10, %dma_wait3A_36] : memref<10112x16xf32, #tpu.memory_space<vmem_shared>> -> memref<632x16xf32, #tpu.memory_space<vmem_shared>>
      tpu.wait_dma2 semaphore(%run_scoped3A : memref<!tpu.dma_semaphore, #tpu.memory_space<semaphore_mem>>) src(%arg14 : memref<632x16xf32, #tpu.memory_space<vmem>>) dst(%dma_wait3A_37 : memref<632x16xf32, #tpu.memory_space<vmem_shared>>)
      tpu.yield
    }) : () -> ()
    %barrier3A = arith.constant 0 : index
    tpu.barrier barrier_id(%barrier3A)
    %sub3A = arith.constant 0 : i32
    %sub3A_11 = arith.subi %select_n3A_8, %sub3A : i32
    %sub3A_12 = arith.constant 1 : i32
    %sub3A_13 = arith.constant 1 : i32
    %sub3A_14 = arith.subi %sub3A_12, %sub3A_13 : i32
    %add3A_15 = arith.addi %sub3A_11, %sub3A_14 : i32
    %div3A = arith.constant 1 : i32
    %div3A_16 = arith.divsi %add3A_15, %div3A : i32
    %while3A = arith.constant 1 : i32
    %while3A_17 = arith.constant 0 : i32
    %while3A_18 = arith.constant 0 : i32
    %while3A_19 = arith.subi %div3A_16, %while3A_18 : i32
    %while3A_20 = arith.addi %while3A_18, %while3A_19 : i32
    %while3A_21 = arith.constant 1 : i32
    %while3A_22 = arith.divsi %while3A_19, %while3A_21 : i32
    %while3A_23 = arith.muli %while3A_22, %while3A_21 : i32
    %while3A_24 = arith.addi %while3A_18, %while3A_23 : i32
    %while3A_25 = arith.constant 1 : i32
    scf.for %while3A_32 = %while3A_18 to %while3A_24 step %while3A_25  : i32 {
      %mul3A_33 = arith.muli %while3A_32, %while3A : i32
      %add3A_34 = arith.addi %while3A_17, %mul3A_33 : i32
      %add3A_35 = arith.addi %select_n3A, %add3A_34 : i32
      %mul3A_36 = arith.constant 128 : i32
      %mul3A_37 = arith.muli %add3A_35, %mul3A_36 : i32
      %lt3A = arith.constant 1250 : i32
      %lt3A_38 = arith.cmpi slt, %add3A_35, %lt3A : i32
      %dma_start3A = arith.constant 0 : i32
      %dma_start3A_39 = arith.constant 0 : i32
      %dma_start3A_40 = arith.constant 0 : i32
      %dma_start3A_41 = tpu.memref_slice %arg12[%dma_start3A, %dma_start3A_39, %dma_start3A_40] : memref<2x128x128xf32, #tpu.memory_space<vmem>> -> memref<1x128x128xf32, #tpu.memory_space<vmem>>
      %dma_start3A_42 = tpu.memref_squeeze %dma_start3A_41 : memref<1x128x128xf32, #tpu.memory_space<vmem>> -> memref<128x128xf32, #tpu.memory_space<vmem>>
      %dma_start3A_43 = arith.constant 0 : i32
      %dma_start3A_44 = tpu.memref_slice %arg10[%add3A_34, %dma_start3A_43] : memref<60x128xi32, #tpu.memory_space<vmem>> -> memref<1x128xi32, #tpu.memory_space<vmem>>
      %dma_start3A_45 = tpu.memref_squeeze %dma_start3A_44 : memref<1x128xi32, #tpu.memory_space<vmem>> -> memref<128xi32, #tpu.memory_space<vmem>>
      %dma_start3A_46 = arith.constant 0 : i32
      %dma_start3A_47 = arith.constant 0 : i32
      %dma_start3A_48 = tpu.memref_slice %arg2[%dma_start3A_46, %dma_start3A_47] : memref<10000x128xf32, #tpu.memory_space<hbm>> -> memref<10000x128xf32, #tpu.memory_space<hbm>>
      tpu.enqueue_indirect_dma source(%dma_start3A_48 : memref<10000x128xf32, #tpu.memory_space<hbm>>) target(%dma_start3A_42 : memref<128x128xf32, #tpu.memory_space<vmem>>) offsets(%dma_start3A_45 : memref<128xi32, #tpu.memory_space<vmem>>) semaphore(%arg16 : memref<!tpu.dma_semaphore, #tpu.memory_space<semaphore_mem>>)
      %dma_start3A_49 = arith.constant 1 : i32
      %dma_start3A_50 = arith.constant 0 : i32
      %dma_start3A_51 = arith.constant 0 : i32
      %dma_start3A_52 = tpu.memref_slice %arg12[%dma_start3A_49, %dma_start3A_50, %dma_start3A_51] : memref<2x128x128xf32, #tpu.memory_space<vmem>> -> memref<1x128x128xf32, #tpu.memory_space<vmem>>
      %dma_start3A_53 = tpu.memref_squeeze %dma_start3A_52 : memref<1x128x128xf32, #tpu.memory_space<vmem>> -> memref<128x128xf32, #tpu.memory_space<vmem>>
      %dma_start3A_54 = arith.constant 0 : i32
      %dma_start3A_55 = tpu.memref_slice %arg11[%add3A_34, %dma_start3A_54] : memref<60x128xi32, #tpu.memory_space<vmem>> -> memref<1x128xi32, #tpu.memory_space<vmem>>
      %dma_start3A_56 = tpu.memref_squeeze %dma_start3A_55 : memref<1x128xi32, #tpu.memory_space<vmem>> -> memref<128xi32, #tpu.memory_space<vmem>>
      %dma_start3A_57 = arith.constant 0 : i32
      %dma_start3A_58 = arith.constant 0 : i32
      %dma_start3A_59 = tpu.memref_slice %arg2[%dma_start3A_57, %dma_start3A_58] : memref<10000x128xf32, #tpu.memory_space<hbm>> -> memref<10000x128xf32, #tpu.memory_space<hbm>>
      tpu.enqueue_indirect_dma source(%dma_start3A_59 : memref<10000x128xf32, #tpu.memory_space<hbm>>) target(%dma_start3A_53 : memref<128x128xf32, #tpu.memory_space<vmem>>) offsets(%dma_start3A_56 : memref<128xi32, #tpu.memory_space<vmem>>) semaphore(%arg17 : memref<!tpu.dma_semaphore, #tpu.memory_space<semaphore_mem>>)
      %convert_element_type3A = arith.extui %lt3A_38 : i1 to i32
      %cond3A = arith.constant 0 : i32
      %cond3A_60 = arith.cmpi ne, %convert_element_type3A, %cond3A : i32
      scf.if %cond3A_60 {
        %dma_start3A_137 = arith.constant 0 : i32
        %dma_start3A_138 = tpu.memref_slice %arg5[%mul3A_37, %dma_start3A_137] : memref<160000x16xf32, #tpu.memory_space<hbm>> -> memref<128x16xf32, #tpu.memory_space<hbm>>
        %dma_start3A_139 = arith.constant 0 : i32
        %dma_start3A_140 = tpu.memref_slice %arg5[%mul3A_37, %dma_start3A_139] : memref<160000x16xf32, #tpu.memory_space<hbm>> -> memref<128x16xf32, #tpu.memory_space<hbm>>
        tpu.enqueue_dma source(%dma_start3A_140 : memref<128x16xf32, #tpu.memory_space<hbm>>) target(%arg13 : memref<128x16xf32, #tpu.memory_space<vmem>>) target_semaphore(%arg20 : memref<!tpu.dma_semaphore, #tpu.memory_space<semaphore_mem>>)
        %dma_wait3A_141 = arith.constant 0 : i32
        %dma_wait3A_142 = tpu.memref_slice %arg5[%mul3A_37, %dma_wait3A_141] : memref<160000x16xf32, #tpu.memory_space<hbm>> -> memref<128x16xf32, #tpu.memory_space<hbm>>
        %dma_wait3A_143 = arith.constant 0 : i32
        %dma_wait3A_144 = tpu.memref_slice %arg5[%mul3A_37, %dma_wait3A_143] : memref<160000x16xf32, #tpu.memory_space<hbm>> -> memref<128x16xf32, #tpu.memory_space<hbm>>
        tpu.wait_dma2 semaphore(%arg20 : memref<!tpu.dma_semaphore, #tpu.memory_space<semaphore_mem>>) src(%dma_wait3A_144 : memref<128x16xf32, #tpu.memory_space<hbm>>) dst(%arg13 : memref<128x16xf32, #tpu.memory_space<vmem>>)
      } else {
      }
      %dma_wait3A = arith.constant 0 : i32
      %dma_wait3A_61 = arith.constant 0 : i32
      %dma_wait3A_62 = arith.constant 0 : i32
      %dma_wait3A_63 = tpu.memref_slice %arg12[%dma_wait3A, %dma_wait3A_61, %dma_wait3A_62] : memref<2x128x128xf32, #tpu.memory_space<vmem>> -> memref<1x128x128xf32, #tpu.memory_space<vmem>>
      %dma_wait3A_64 = tpu.memref_squeeze %dma_wait3A_63 : memref<1x128x128xf32, #tpu.memory_space<vmem>> -> memref<128x128xf32, #tpu.memory_space<vmem>>
      %dma_wait3A_65 = arith.constant 0 : i32
      %dma_wait3A_66 = tpu.memref_slice %arg10[%add3A_34, %dma_wait3A_65] : memref<60x128xi32, #tpu.memory_space<vmem>> -> memref<1x128xi32, #tpu.memory_space<vmem>>
      %dma_wait3A_67 = tpu.memref_squeeze %dma_wait3A_66 : memref<1x128xi32, #tpu.memory_space<vmem>> -> memref<128xi32, #tpu.memory_space<vmem>>
      %dma_wait3A_68 = arith.constant 0 : i32
      %dma_wait3A_69 = arith.constant 0 : i32
      %dma_wait3A_70 = tpu.memref_slice %arg2[%dma_wait3A_68, %dma_wait3A_69] : memref<10000x128xf32, #tpu.memory_space<hbm>> -> memref<10000x128xf32, #tpu.memory_space<hbm>>
      tpu.wait_indirect_dma semaphore(%arg16 : memref<!tpu.dma_semaphore, #tpu.memory_space<semaphore_mem>>) src(%dma_wait3A_70 : memref<10000x128xf32, #tpu.memory_space<hbm>>) dst(%dma_wait3A_64 : memref<128x128xf32, #tpu.memory_space<vmem>>)
      %dma_start3A_71 = arith.constant 0 : i32
      %dma_start3A_72 = arith.constant 0 : i32
      %dma_start3A_73 = arith.constant 0 : i32
      %dma_start3A_74 = tpu.memref_slice %arg12[%dma_start3A_71, %dma_start3A_72, %dma_start3A_73] : memref<2x128x128xf32, #tpu.memory_space<vmem>> -> memref<1x128x128xf32, #tpu.memory_space<vmem>>
      %dma_start3A_75 = tpu.memref_squeeze %dma_start3A_74 : memref<1x128x128xf32, #tpu.memory_space<vmem>> -> memref<128x128xf32, #tpu.memory_space<vmem>>
      %dma_start3A_76 = arith.constant 0 : i32
      %dma_start3A_77 = tpu.memref_slice %arg7[%mul3A_37, %dma_start3A_76] : memref<161792x128xf32, #tpu.memory_space<hbm>> -> memref<128x128xf32, #tpu.memory_space<hbm>>
      %dma_start3A_78 = arith.constant 0 : i32
      %dma_start3A_79 = tpu.memref_slice %arg7[%mul3A_37, %dma_start3A_78] : memref<161792x128xf32, #tpu.memory_space<hbm>> -> memref<128x128xf32, #tpu.memory_space<hbm>>
      %dma_start3A_80 = arith.constant 0 : i32
      %dma_start3A_81 = arith.constant 0 : i32
      %dma_start3A_82 = tpu.memref_slice %arg12[%dma_start3A_71, %dma_start3A_80, %dma_start3A_81] : memref<2x128x128xf32, #tpu.memory_space<vmem>> -> memref<1x128x128xf32, #tpu.memory_space<vmem>>
      %dma_start3A_83 = tpu.memref_squeeze %dma_start3A_82 : memref<1x128x128xf32, #tpu.memory_space<vmem>> -> memref<128x128xf32, #tpu.memory_space<vmem>>
      tpu.enqueue_dma source(%dma_start3A_83 : memref<128x128xf32, #tpu.memory_space<vmem>>) target(%dma_start3A_79 : memref<128x128xf32, #tpu.memory_space<hbm>>) target_semaphore(%arg18 : memref<!tpu.dma_semaphore, #tpu.memory_space<semaphore_mem>>)
      %dma_wait3A_84 = arith.constant 1 : i32
      %dma_wait3A_85 = arith.constant 0 : i32
      %dma_wait3A_86 = arith.constant 0 : i32
      %dma_wait3A_87 = tpu.memref_slice %arg12[%dma_wait3A_84, %dma_wait3A_85, %dma_wait3A_86] : memref<2x128x128xf32, #tpu.memory_space<vmem>> -> memref<1x128x128xf32, #tpu.memory_space<vmem>>
      %dma_wait3A_88 = tpu.memref_squeeze %dma_wait3A_87 : memref<1x128x128xf32, #tpu.memory_space<vmem>> -> memref<128x128xf32, #tpu.memory_space<vmem>>
      %dma_wait3A_89 = arith.constant 0 : i32
      %dma_wait3A_90 = tpu.memref_slice %arg11[%add3A_34, %dma_wait3A_89] : memref<60x128xi32, #tpu.memory_space<vmem>> -> memref<1x128xi32, #tpu.memory_space<vmem>>
      %dma_wait3A_91 = tpu.memref_squeeze %dma_wait3A_90 : memref<1x128xi32, #tpu.memory_space<vmem>> -> memref<128xi32, #tpu.memory_space<vmem>>
      %dma_wait3A_92 = arith.constant 0 : i32
      %dma_wait3A_93 = arith.constant 0 : i32
      %dma_wait3A_94 = tpu.memref_slice %arg2[%dma_wait3A_92, %dma_wait3A_93] : memref<10000x128xf32, #tpu.memory_space<hbm>> -> memref<10000x128xf32, #tpu.memory_space<hbm>>
      tpu.wait_indirect_dma semaphore(%arg17 : memref<!tpu.dma_semaphore, #tpu.memory_space<semaphore_mem>>) src(%dma_wait3A_94 : memref<10000x128xf32, #tpu.memory_space<hbm>>) dst(%dma_wait3A_88 : memref<128x128xf32, #tpu.memory_space<vmem>>)
      %dma_start3A_95 = arith.constant 1 : i32
      %dma_start3A_96 = arith.constant 0 : i32
      %dma_start3A_97 = arith.constant 0 : i32
      %dma_start3A_98 = tpu.memref_slice %arg12[%dma_start3A_95, %dma_start3A_96, %dma_start3A_97] : memref<2x128x128xf32, #tpu.memory_space<vmem>> -> memref<1x128x128xf32, #tpu.memory_space<vmem>>
      %dma_start3A_99 = tpu.memref_squeeze %dma_start3A_98 : memref<1x128x128xf32, #tpu.memory_space<vmem>> -> memref<128x128xf32, #tpu.memory_space<vmem>>
      %dma_start3A_100 = arith.constant 0 : i32
      %dma_start3A_101 = tpu.memref_slice %arg8[%mul3A_37, %dma_start3A_100] : memref<161792x128xf32, #tpu.memory_space<hbm>> -> memref<128x128xf32, #tpu.memory_space<hbm>>
      %dma_start3A_102 = arith.constant 0 : i32
      %dma_start3A_103 = tpu.memref_slice %arg8[%mul3A_37, %dma_start3A_102] : memref<161792x128xf32, #tpu.memory_space<hbm>> -> memref<128x128xf32, #tpu.memory_space<hbm>>
      %dma_start3A_104 = arith.constant 0 : i32
      %dma_start3A_105 = arith.constant 0 : i32
      %dma_start3A_106 = tpu.memref_slice %arg12[%dma_start3A_95, %dma_start3A_104, %dma_start3A_105] : memref<2x128x128xf32, #tpu.memory_space<vmem>> -> memref<1x128x128xf32, #tpu.memory_space<vmem>>
      %dma_start3A_107 = tpu.memref_squeeze %dma_start3A_106 : memref<1x128x128xf32, #tpu.memory_space<vmem>> -> memref<128x128xf32, #tpu.memory_space<vmem>>
      tpu.enqueue_dma source(%dma_start3A_107 : memref<128x128xf32, #tpu.memory_space<vmem>>) target(%dma_start3A_103 : memref<128x128xf32, #tpu.memory_space<hbm>>) target_semaphore(%arg19 : memref<!tpu.dma_semaphore, #tpu.memory_space<semaphore_mem>>)
      %convert_element_type3A_108 = arith.extui %lt3A_38 : i1 to i32
      %cond3A_109 = arith.constant 0 : i32
      %cond3A_110 = arith.cmpi ne, %convert_element_type3A_108, %cond3A_109 : i32
      scf.if %cond3A_110 {
        "tpu.region"() ({
          %run_scoped3A = tpu.sem_alloc : memref<!tpu.dma_semaphore, #tpu.memory_space<semaphore_mem>>
          %dma_start3A_137 = arith.constant 0 : i32
          %dma_start3A_138 = tpu.memref_slice %arg11[%add3A_34, %dma_start3A_137] : memref<60x128xi32, #tpu.memory_space<vmem>> -> memref<1x128xi32, #tpu.memory_space<vmem>>
          %dma_start3A_139 = tpu.memref_squeeze %dma_start3A_138 : memref<1x128xi32, #tpu.memory_space<vmem>> -> memref<128xi32, #tpu.memory_space<vmem>>
          %dma_start3A_140 = arith.constant 0 : i32
          %dma_start3A_141 = arith.constant 0 : i32
          %dma_start3A_142 = tpu.memref_slice %arg15[%dma_start3A_140, %dma_start3A_141] : memref<10112x16xf32, #tpu.memory_space<vmem_shared>> -> memref<10112x16xf32, #tpu.memory_space<vmem_shared>>
          tpu.enqueue_indirect_dma source(%arg13 : memref<128x16xf32, #tpu.memory_space<vmem>>) target(%dma_start3A_142 : memref<10112x16xf32, #tpu.memory_space<vmem_shared>>) offsets(%dma_start3A_139 : memref<128xi32, #tpu.memory_space<vmem>>) semaphore(%run_scoped3A : memref<!tpu.dma_semaphore, #tpu.memory_space<semaphore_mem>>) {add = true}
          %dma_wait3A_143 = arith.constant 0 : i32
          %dma_wait3A_144 = tpu.memref_slice %arg11[%add3A_34, %dma_wait3A_143] : memref<60x128xi32, #tpu.memory_space<vmem>> -> memref<1x128xi32, #tpu.memory_space<vmem>>
          %dma_wait3A_145 = tpu.memref_squeeze %dma_wait3A_144 : memref<1x128xi32, #tpu.memory_space<vmem>> -> memref<128xi32, #tpu.memory_space<vmem>>
          %dma_wait3A_146 = arith.constant 0 : i32
          %dma_wait3A_147 = arith.constant 0 : i32
          %dma_wait3A_148 = tpu.memref_slice %arg15[%dma_wait3A_146, %dma_wait3A_147] : memref<10112x16xf32, #tpu.memory_space<vmem_shared>> -> memref<10112x16xf32, #tpu.memory_space<vmem_shared>>
          tpu.wait_indirect_dma semaphore(%run_scoped3A : memref<!tpu.dma_semaphore, #tpu.memory_space<semaphore_mem>>) src(%arg13 : memref<128x16xf32, #tpu.memory_space<vmem>>) dst(%dma_wait3A_148 : memref<10112x16xf32, #tpu.memory_space<vmem_shared>>)
          tpu.yield
        }) : () -> ()
      } else {
      }
      %dma_wait3A_111 = arith.constant 0 : i32
      %dma_wait3A_112 = arith.constant 0 : i32
      %dma_wait3A_113 = arith.constant 0 : i32
      %dma_wait3A_114 = tpu.memref_slice %arg12[%dma_wait3A_111, %dma_wait3A_112, %dma_wait3A_113] : memref<2x128x128xf32, #tpu.memory_space<vmem>> -> memref<1x128x128xf32, #tpu.memory_space<vmem>>
      %dma_wait3A_115 = tpu.memref_squeeze %dma_wait3A_114 : memref<1x128x128xf32, #tpu.memory_space<vmem>> -> memref<128x128xf32, #tpu.memory_space<vmem>>
      %dma_wait3A_116 = arith.constant 0 : i32
      %dma_wait3A_117 = tpu.memref_slice %arg7[%mul3A_37, %dma_wait3A_116] : memref<161792x128xf32, #tpu.memory_space<hbm>> -> memref<128x128xf32, #tpu.memory_space<hbm>>
      %dma_wait3A_118 = arith.constant 0 : i32
      %dma_wait3A_119 = tpu.memref_slice %arg7[%mul3A_37, %dma_wait3A_118] : memref<161792x128xf32, #tpu.memory_space<hbm>> -> memref<128x128xf32, #tpu.memory_space<hbm>>
      %dma_wait3A_120 = arith.constant 0 : i32
      %dma_wait3A_121 = arith.constant 0 : i32
      %dma_wait3A_122 = tpu.memref_slice %arg12[%dma_wait3A_111, %dma_wait3A_120, %dma_wait3A_121] : memref<2x128x128xf32, #tpu.memory_space<vmem>> -> memref<1x128x128xf32, #tpu.memory_space<vmem>>
      %dma_wait3A_123 = tpu.memref_squeeze %dma_wait3A_122 : memref<1x128x128xf32, #tpu.memory_space<vmem>> -> memref<128x128xf32, #tpu.memory_space<vmem>>
      tpu.wait_dma2 semaphore(%arg18 : memref<!tpu.dma_semaphore, #tpu.memory_space<semaphore_mem>>) src(%dma_wait3A_123 : memref<128x128xf32, #tpu.memory_space<vmem>>) dst(%dma_wait3A_119 : memref<128x128xf32, #tpu.memory_space<hbm>>)
      %dma_wait3A_124 = arith.constant 1 : i32
      %dma_wait3A_125 = arith.constant 0 : i32
      %dma_wait3A_126 = arith.constant 0 : i32
      %dma_wait3A_127 = tpu.memref_slice %arg12[%dma_wait3A_124, %dma_wait3A_125, %dma_wait3A_126] : memref<2x128x128xf32, #tpu.memory_space<vmem>> -> memref<1x128x128xf32, #tpu.memory_space<vmem>>
      %dma_wait3A_128 = tpu.memref_squeeze %dma_wait3A_127 : memref<1x128x128xf32, #tpu.memory_space<vmem>> -> memref<128x128xf32, #tpu.memory_space<vmem>>
      %dma_wait3A_129 = arith.constant 0 : i32
      %dma_wait3A_130 = tpu.memref_slice %arg8[%mul3A_37, %dma_wait3A_129] : memref<161792x128xf32, #tpu.memory_space<hbm>> -> memref<128x128xf32, #tpu.memory_space<hbm>>
      %dma_wait3A_131 = arith.constant 0 : i32
      %dma_wait3A_132 = tpu.memref_slice %arg8[%mul3A_37, %dma_wait3A_131] : memref<161792x128xf32, #tpu.memory_space<hbm>> -> memref<128x128xf32, #tpu.memory_space<hbm>>
      %dma_wait3A_133 = arith.constant 0 : i32
      %dma_wait3A_134 = arith.constant 0 : i32
      %dma_wait3A_135 = tpu.memref_slice %arg12[%dma_wait3A_124, %dma_wait3A_133, %dma_wait3A_134] : memref<2x128x128xf32, #tpu.memory_space<vmem>> -> memref<1x128x128xf32, #tpu.memory_space<vmem>>
      %dma_wait3A_136 = tpu.memref_squeeze %dma_wait3A_135 : memref<1x128x128xf32, #tpu.memory_space<vmem>> -> memref<128x128xf32, #tpu.memory_space<vmem>>
      tpu.wait_dma2 semaphore(%arg19 : memref<!tpu.dma_semaphore, #tpu.memory_space<semaphore_mem>>) src(%dma_wait3A_136 : memref<128x128xf32, #tpu.memory_space<vmem>>) dst(%dma_wait3A_132 : memref<128x128xf32, #tpu.memory_space<hbm>>)
    }
    %while3A_26 = arith.constant 1 : i32
    scf.for %while3A_32 = %while3A_24 to %while3A_20 step %while3A_26  : i32 {
      %mul3A_33 = arith.muli %while3A_32, %while3A : i32
      %add3A_34 = arith.addi %while3A_17, %mul3A_33 : i32
      %add3A_35 = arith.addi %select_n3A, %add3A_34 : i32
      %mul3A_36 = arith.constant 128 : i32
      %mul3A_37 = arith.muli %add3A_35, %mul3A_36 : i32
      %lt3A = arith.constant 1250 : i32
      %lt3A_38 = arith.cmpi slt, %add3A_35, %lt3A : i32
      %dma_start3A = arith.constant 0 : i32
      %dma_start3A_39 = arith.constant 0 : i32
      %dma_start3A_40 = arith.constant 0 : i32
      %dma_start3A_41 = tpu.memref_slice %arg12[%dma_start3A, %dma_start3A_39, %dma_start3A_40] : memref<2x128x128xf32, #tpu.memory_space<vmem>> -> memref<1x128x128xf32, #tpu.memory_space<vmem>>
      %dma_start3A_42 = tpu.memref_squeeze %dma_start3A_41 : memref<1x128x128xf32, #tpu.memory_space<vmem>> -> memref<128x128xf32, #tpu.memory_space<vmem>>
      %dma_start3A_43 = arith.constant 0 : i32
      %dma_start3A_44 = tpu.memref_slice %arg10[%add3A_34, %dma_start3A_43] : memref<60x128xi32, #tpu.memory_space<vmem>> -> memref<1x128xi32, #tpu.memory_space<vmem>>
      %dma_start3A_45 = tpu.memref_squeeze %dma_start3A_44 : memref<1x128xi32, #tpu.memory_space<vmem>> -> memref<128xi32, #tpu.memory_space<vmem>>
      %dma_start3A_46 = arith.constant 0 : i32
      %dma_start3A_47 = arith.constant 0 : i32
      %dma_start3A_48 = tpu.memref_slice %arg2[%dma_start3A_46, %dma_start3A_47] : memref<10000x128xf32, #tpu.memory_space<hbm>> -> memref<10000x128xf32, #tpu.memory_space<hbm>>
      tpu.enqueue_indirect_dma source(%dma_start3A_48 : memref<10000x128xf32, #tpu.memory_space<hbm>>) target(%dma_start3A_42 : memref<128x128xf32, #tpu.memory_space<vmem>>) offsets(%dma_start3A_45 : memref<128xi32, #tpu.memory_space<vmem>>) semaphore(%arg16 : memref<!tpu.dma_semaphore, #tpu.memory_space<semaphore_mem>>)
      %dma_start3A_49 = arith.constant 1 : i32
      %dma_start3A_50 = arith.constant 0 : i32
      %dma_start3A_51 = arith.constant 0 : i32
      %dma_start3A_52 = tpu.memref_slice %arg12[%dma_start3A_49, %dma_start3A_50, %dma_start3A_51] : memref<2x128x128xf32, #tpu.memory_space<vmem>> -> memref<1x128x128xf32, #tpu.memory_space<vmem>>
      %dma_start3A_53 = tpu.memref_squeeze %dma_start3A_52 : memref<1x128x128xf32, #tpu.memory_space<vmem>> -> memref<128x128xf32, #tpu.memory_space<vmem>>
      %dma_start3A_54 = arith.constant 0 : i32
      %dma_start3A_55 = tpu.memref_slice %arg11[%add3A_34, %dma_start3A_54] : memref<60x128xi32, #tpu.memory_space<vmem>> -> memref<1x128xi32, #tpu.memory_space<vmem>>
      %dma_start3A_56 = tpu.memref_squeeze %dma_start3A_55 : memref<1x128xi32, #tpu.memory_space<vmem>> -> memref<128xi32, #tpu.memory_space<vmem>>
      %dma_start3A_57 = arith.constant 0 : i32
      %dma_start3A_58 = arith.constant 0 : i32
      %dma_start3A_59 = tpu.memref_slice %arg2[%dma_start3A_57, %dma_start3A_58] : memref<10000x128xf32, #tpu.memory_space<hbm>> -> memref<10000x128xf32, #tpu.memory_space<hbm>>
      tpu.enqueue_indirect_dma source(%dma_start3A_59 : memref<10000x128xf32, #tpu.memory_space<hbm>>) target(%dma_start3A_53 : memref<128x128xf32, #tpu.memory_space<vmem>>) offsets(%dma_start3A_56 : memref<128xi32, #tpu.memory_space<vmem>>) semaphore(%arg17 : memref<!tpu.dma_semaphore, #tpu.memory_space<semaphore_mem>>)
      %convert_element_type3A = arith.extui %lt3A_38 : i1 to i32
      %cond3A = arith.constant 0 : i32
      %cond3A_60 = arith.cmpi ne, %convert_element_type3A, %cond3A : i32
      scf.if %cond3A_60 {
        %dma_start3A_137 = arith.constant 0 : i32
        %dma_start3A_138 = tpu.memref_slice %arg5[%mul3A_37, %dma_start3A_137] : memref<160000x16xf32, #tpu.memory_space<hbm>> -> memref<128x16xf32, #tpu.memory_space<hbm>>
        %dma_start3A_139 = arith.constant 0 : i32
        %dma_start3A_140 = tpu.memref_slice %arg5[%mul3A_37, %dma_start3A_139] : memref<160000x16xf32, #tpu.memory_space<hbm>> -> memref<128x16xf32, #tpu.memory_space<hbm>>
        tpu.enqueue_dma source(%dma_start3A_140 : memref<128x16xf32, #tpu.memory_space<hbm>>) target(%arg13 : memref<128x16xf32, #tpu.memory_space<vmem>>) target_semaphore(%arg20 : memref<!tpu.dma_semaphore, #tpu.memory_space<semaphore_mem>>)
        %dma_wait3A_141 = arith.constant 0 : i32
        %dma_wait3A_142 = tpu.memref_slice %arg5[%mul3A_37, %dma_wait3A_141] : memref<160000x16xf32, #tpu.memory_space<hbm>> -> memref<128x16xf32, #tpu.memory_space<hbm>>
        %dma_wait3A_143 = arith.constant 0 : i32
        %dma_wait3A_144 = tpu.memref_slice %arg5[%mul3A_37, %dma_wait3A_143] : memref<160000x16xf32, #tpu.memory_space<hbm>> -> memref<128x16xf32, #tpu.memory_space<hbm>>
        tpu.wait_dma2 semaphore(%arg20 : memref<!tpu.dma_semaphore, #tpu.memory_space<semaphore_mem>>) src(%dma_wait3A_144 : memref<128x16xf32, #tpu.memory_space<hbm>>) dst(%arg13 : memref<128x16xf32, #tpu.memory_space<vmem>>)
      } else {
      }
      %dma_wait3A = arith.constant 0 : i32
      %dma_wait3A_61 = arith.constant 0 : i32
      %dma_wait3A_62 = arith.constant 0 : i32
      %dma_wait3A_63 = tpu.memref_slice %arg12[%dma_wait3A, %dma_wait3A_61, %dma_wait3A_62] : memref<2x128x128xf32, #tpu.memory_space<vmem>> -> memref<1x128x128xf32, #tpu.memory_space<vmem>>
      %dma_wait3A_64 = tpu.memref_squeeze %dma_wait3A_63 : memref<1x128x128xf32, #tpu.memory_space<vmem>> -> memref<128x128xf32, #tpu.memory_space<vmem>>
      %dma_wait3A_65 = arith.constant 0 : i32
      %dma_wait3A_66 = tpu.memref_slice %arg10[%add3A_34, %dma_wait3A_65] : memref<60x128xi32, #tpu.memory_space<vmem>> -> memref<1x128xi32, #tpu.memory_space<vmem>>
      %dma_wait3A_67 = tpu.memref_squeeze %dma_wait3A_66 : memref<1x128xi32, #tpu.memory_space<vmem>> -> memref<128xi32, #tpu.memory_space<vmem>>
      %dma_wait3A_68 = arith.constant 0 : i32
      %dma_wait3A_69 = arith.constant 0 : i32
      %dma_wait3A_70 = tpu.memref_slice %arg2[%dma_wait3A_68, %dma_wait3A_69] : memref<10000x128xf32, #tpu.memory_space<hbm>> -> memref<10000x128xf32, #tpu.memory_space<hbm>>
      tpu.wait_indirect_dma semaphore(%arg16 : memref<!tpu.dma_semaphore, #tpu.memory_space<semaphore_mem>>) src(%dma_wait3A_70 : memref<10000x128xf32, #tpu.memory_space<hbm>>) dst(%dma_wait3A_64 : memref<128x128xf32, #tpu.memory_space<vmem>>)
      %dma_start3A_71 = arith.constant 0 : i32
      %dma_start3A_72 = arith.constant 0 : i32
      %dma_start3A_73 = arith.constant 0 : i32
      %dma_start3A_74 = tpu.memref_slice %arg12[%dma_start3A_71, %dma_start3A_72, %dma_start3A_73] : memref<2x128x128xf32, #tpu.memory_space<vmem>> -> memref<1x128x128xf32, #tpu.memory_space<vmem>>
      %dma_start3A_75 = tpu.memref_squeeze %dma_start3A_74 : memref<1x128x128xf32, #tpu.memory_space<vmem>> -> memref<128x128xf32, #tpu.memory_space<vmem>>
      %dma_start3A_76 = arith.constant 0 : i32
      %dma_start3A_77 = tpu.memref_slice %arg7[%mul3A_37, %dma_start3A_76] : memref<161792x128xf32, #tpu.memory_space<hbm>> -> memref<128x128xf32, #tpu.memory_space<hbm>>
      %dma_start3A_78 = arith.constant 0 : i32
      %dma_start3A_79 = tpu.memref_slice %arg7[%mul3A_37, %dma_start3A_78] : memref<161792x128xf32, #tpu.memory_space<hbm>> -> memref<128x128xf32, #tpu.memory_space<hbm>>
      %dma_start3A_80 = arith.constant 0 : i32
      %dma_start3A_81 = arith.constant 0 : i32
      %dma_start3A_82 = tpu.memref_slice %arg12[%dma_start3A_71, %dma_start3A_80, %dma_start3A_81] : memref<2x128x128xf32, #tpu.memory_space<vmem>> -> memref<1x128x128xf32, #tpu.memory_space<vmem>>
      %dma_start3A_83 = tpu.memref_squeeze %dma_start3A_82 : memref<1x128x128xf32, #tpu.memory_space<vmem>> -> memref<128x128xf32, #tpu.memory_space<vmem>>
      tpu.enqueue_dma source(%dma_start3A_83 : memref<128x128xf32, #tpu.memory_space<vmem>>) target(%dma_start3A_79 : memref<128x128xf32, #tpu.memory_space<hbm>>) target_semaphore(%arg18 : memref<!tpu.dma_semaphore, #tpu.memory_space<semaphore_mem>>)
      %dma_wait3A_84 = arith.constant 1 : i32
      %dma_wait3A_85 = arith.constant 0 : i32
      %dma_wait3A_86 = arith.constant 0 : i32
      %dma_wait3A_87 = tpu.memref_slice %arg12[%dma_wait3A_84, %dma_wait3A_85, %dma_wait3A_86] : memref<2x128x128xf32, #tpu.memory_space<vmem>> -> memref<1x128x128xf32, #tpu.memory_space<vmem>>
      %dma_wait3A_88 = tpu.memref_squeeze %dma_wait3A_87 : memref<1x128x128xf32, #tpu.memory_space<vmem>> -> memref<128x128xf32, #tpu.memory_space<vmem>>
      %dma_wait3A_89 = arith.constant 0 : i32
      %dma_wait3A_90 = tpu.memref_slice %arg11[%add3A_34, %dma_wait3A_89] : memref<60x128xi32, #tpu.memory_space<vmem>> -> memref<1x128xi32, #tpu.memory_space<vmem>>
      %dma_wait3A_91 = tpu.memref_squeeze %dma_wait3A_90 : memref<1x128xi32, #tpu.memory_space<vmem>> -> memref<128xi32, #tpu.memory_space<vmem>>
      %dma_wait3A_92 = arith.constant 0 : i32
      %dma_wait3A_93 = arith.constant 0 : i32
      %dma_wait3A_94 = tpu.memref_slice %arg2[%dma_wait3A_92, %dma_wait3A_93] : memref<10000x128xf32, #tpu.memory_space<hbm>> -> memref<10000x128xf32, #tpu.memory_space<hbm>>
      tpu.wait_indirect_dma semaphore(%arg17 : memref<!tpu.dma_semaphore, #tpu.memory_space<semaphore_mem>>) src(%dma_wait3A_94 : memref<10000x128xf32, #tpu.memory_space<hbm>>) dst(%dma_wait3A_88 : memref<128x128xf32, #tpu.memory_space<vmem>>)
      %dma_start3A_95 = arith.constant 1 : i32
      %dma_start3A_96 = arith.constant 0 : i32
      %dma_start3A_97 = arith.constant 0 : i32
      %dma_start3A_98 = tpu.memref_slice %arg12[%dma_start3A_95, %dma_start3A_96, %dma_start3A_97] : memref<2x128x128xf32, #tpu.memory_space<vmem>> -> memref<1x128x128xf32, #tpu.memory_space<vmem>>
      %dma_start3A_99 = tpu.memref_squeeze %dma_start3A_98 : memref<1x128x128xf32, #tpu.memory_space<vmem>> -> memref<128x128xf32, #tpu.memory_space<vmem>>
      %dma_start3A_100 = arith.constant 0 : i32
      %dma_start3A_101 = tpu.memref_slice %arg8[%mul3A_37, %dma_start3A_100] : memref<161792x128xf32, #tpu.memory_space<hbm>> -> memref<128x128xf32, #tpu.memory_space<hbm>>
      %dma_start3A_102 = arith.constant 0 : i32
      %dma_start3A_103 = tpu.memref_slice %arg8[%mul3A_37, %dma_start3A_102] : memref<161792x128xf32, #tpu.memory_space<hbm>> -> memref<128x128xf32, #tpu.memory_space<hbm>>
      %dma_start3A_104 = arith.constant 0 : i32
      %dma_start3A_105 = arith.constant 0 : i32
      %dma_start3A_106 = tpu.memref_slice %arg12[%dma_start3A_95, %dma_start3A_104, %dma_start3A_105] : memref<2x128x128xf32, #tpu.memory_space<vmem>> -> memref<1x128x128xf32, #tpu.memory_space<vmem>>
      %dma_start3A_107 = tpu.memref_squeeze %dma_start3A_106 : memref<1x128x128xf32, #tpu.memory_space<vmem>> -> memref<128x128xf32, #tpu.memory_space<vmem>>
      tpu.enqueue_dma source(%dma_start3A_107 : memref<128x128xf32, #tpu.memory_space<vmem>>) target(%dma_start3A_103 : memref<128x128xf32, #tpu.memory_space<hbm>>) target_semaphore(%arg19 : memref<!tpu.dma_semaphore, #tpu.memory_space<semaphore_mem>>)
      %convert_element_type3A_108 = arith.extui %lt3A_38 : i1 to i32
      %cond3A_109 = arith.constant 0 : i32
      %cond3A_110 = arith.cmpi ne, %convert_element_type3A_108, %cond3A_109 : i32
      scf.if %cond3A_110 {
        "tpu.region"() ({
          %run_scoped3A = tpu.sem_alloc : memref<!tpu.dma_semaphore, #tpu.memory_space<semaphore_mem>>
          %dma_start3A_137 = arith.constant 0 : i32
          %dma_start3A_138 = tpu.memref_slice %arg11[%add3A_34, %dma_start3A_137] : memref<60x128xi32, #tpu.memory_space<vmem>> -> memref<1x128xi32, #tpu.memory_space<vmem>>
          %dma_start3A_139 = tpu.memref_squeeze %dma_start3A_138 : memref<1x128xi32, #tpu.memory_space<vmem>> -> memref<128xi32, #tpu.memory_space<vmem>>
          %dma_start3A_140 = arith.constant 0 : i32
          %dma_start3A_141 = arith.constant 0 : i32
          %dma_start3A_142 = tpu.memref_slice %arg15[%dma_start3A_140, %dma_start3A_141] : memref<10112x16xf32, #tpu.memory_space<vmem_shared>> -> memref<10112x16xf32, #tpu.memory_space<vmem_shared>>
          tpu.enqueue_indirect_dma source(%arg13 : memref<128x16xf32, #tpu.memory_space<vmem>>) target(%dma_start3A_142 : memref<10112x16xf32, #tpu.memory_space<vmem_shared>>) offsets(%dma_start3A_139 : memref<128xi32, #tpu.memory_space<vmem>>) semaphore(%run_scoped3A : memref<!tpu.dma_semaphore, #tpu.memory_space<semaphore_mem>>) {add = true}
          %dma_wait3A_143 = arith.constant 0 : i32
          %dma_wait3A_144 = tpu.memref_slice %arg11[%add3A_34, %dma_wait3A_143] : memref<60x128xi32, #tpu.memory_space<vmem>> -> memref<1x128xi32, #tpu.memory_space<vmem>>
          %dma_wait3A_145 = tpu.memref_squeeze %dma_wait3A_144 : memref<1x128xi32, #tpu.memory_space<vmem>> -> memref<128xi32, #tpu.memory_space<vmem>>
          %dma_wait3A_146 = arith.constant 0 : i32
          %dma_wait3A_147 = arith.constant 0 : i32
          %dma_wait3A_148 = tpu.memref_slice %arg15[%dma_wait3A_146, %dma_wait3A_147] : memref<10112x16xf32, #tpu.memory_space<vmem_shared>> -> memref<10112x16xf32, #tpu.memory_space<vmem_shared>>
          tpu.wait_indirect_dma semaphore(%run_scoped3A : memref<!tpu.dma_semaphore, #tpu.memory_space<semaphore_mem>>) src(%arg13 : memref<128x16xf32, #tpu.memory_space<vmem>>) dst(%dma_wait3A_148 : memref<10112x16xf32, #tpu.memory_space<vmem_shared>>)
          tpu.yield
        }) : () -> ()
      } else {
      }
      %dma_wait3A_111 = arith.constant 0 : i32
      %dma_wait3A_112 = arith.constant 0 : i32
      %dma_wait3A_113 = arith.constant 0 : i32
      %dma_wait3A_114 = tpu.memref_slice %arg12[%dma_wait3A_111, %dma_wait3A_112, %dma_wait3A_113] : memref<2x128x128xf32, #tpu.memory_space<vmem>> -> memref<1x128x128xf32, #tpu.memory_space<vmem>>
      %dma_wait3A_115 = tpu.memref_squeeze %dma_wait3A_114 : memref<1x128x128xf32, #tpu.memory_space<vmem>> -> memref<128x128xf32, #tpu.memory_space<vmem>>
      %dma_wait3A_116 = arith.constant 0 : i32
      %dma_wait3A_117 = tpu.memref_slice %arg7[%mul3A_37, %dma_wait3A_116] : memref<161792x128xf32, #tpu.memory_space<hbm>> -> memref<128x128xf32, #tpu.memory_space<hbm>>
      %dma_wait3A_118 = arith.constant 0 : i32
      %dma_wait3A_119 = tpu.memref_slice %arg7[%mul3A_37, %dma_wait3A_118] : memref<161792x128xf32, #tpu.memory_space<hbm>> -> memref<128x128xf32, #tpu.memory_space<hbm>>
      %dma_wait3A_120 = arith.constant 0 : i32
      %dma_wait3A_121 = arith.constant 0 : i32
      %dma_wait3A_122 = tpu.memref_slice %arg12[%dma_wait3A_111, %dma_wait3A_120, %dma_wait3A_121] : memref<2x128x128xf32, #tpu.memory_space<vmem>> -> memref<1x128x128xf32, #tpu.memory_space<vmem>>
      %dma_wait3A_123 = tpu.memref_squeeze %dma_wait3A_122 : memref<1x128x128xf32, #tpu.memory_space<vmem>> -> memref<128x128xf32, #tpu.memory_space<vmem>>
      tpu.wait_dma2 semaphore(%arg18 : memref<!tpu.dma_semaphore, #tpu.memory_space<semaphore_mem>>) src(%dma_wait3A_123 : memref<128x128xf32, #tpu.memory_space<vmem>>) dst(%dma_wait3A_119 : memref<128x128xf32, #tpu.memory_space<hbm>>)
      %dma_wait3A_124 = arith.constant 1 : i32
      %dma_wait3A_125 = arith.constant 0 : i32
      %dma_wait3A_126 = arith.constant 0 : i32
      %dma_wait3A_127 = tpu.memref_slice %arg12[%dma_wait3A_124, %dma_wait3A_125, %dma_wait3A_126] : memref<2x128x128xf32, #tpu.memory_space<vmem>> -> memref<1x128x128xf32, #tpu.memory_space<vmem>>
      %dma_wait3A_128 = tpu.memref_squeeze %dma_wait3A_127 : memref<1x128x128xf32, #tpu.memory_space<vmem>> -> memref<128x128xf32, #tpu.memory_space<vmem>>
      %dma_wait3A_129 = arith.constant 0 : i32
      %dma_wait3A_130 = tpu.memref_slice %arg8[%mul3A_37, %dma_wait3A_129] : memref<161792x128xf32, #tpu.memory_space<hbm>> -> memref<128x128xf32, #tpu.memory_space<hbm>>
      %dma_wait3A_131 = arith.constant 0 : i32
      %dma_wait3A_132 = tpu.memref_slice %arg8[%mul3A_37, %dma_wait3A_131] : memref<161792x128xf32, #tpu.memory_space<hbm>> -> memref<128x128xf32, #tpu.memory_space<hbm>>
      %dma_wait3A_133 = arith.constant 0 : i32
      %dma_wait3A_134 = arith.constant 0 : i32
      %dma_wait3A_135 = tpu.memref_slice %arg12[%dma_wait3A_124, %dma_wait3A_133, %dma_wait3A_134] : memref<2x128x128xf32, #tpu.memory_space<vmem>> -> memref<1x128x128xf32, #tpu.memory_space<vmem>>
      %dma_wait3A_136 = tpu.memref_squeeze %dma_wait3A_135 : memref<1x128x128xf32, #tpu.memory_space<vmem>> -> memref<128x128xf32, #tpu.memory_space<vmem>>
      tpu.wait_dma2 semaphore(%arg19 : memref<!tpu.dma_semaphore, #tpu.memory_space<semaphore_mem>>) src(%dma_wait3A_136 : memref<128x128xf32, #tpu.memory_space<vmem>>) dst(%dma_wait3A_132 : memref<128x128xf32, #tpu.memory_space<hbm>>)
    }
    %barrier3A_27 = arith.constant 0 : index
    tpu.barrier barrier_id(%barrier3A_27)
    %mul3A_28 = arith.constant 632 : i32
    %mul3A_29 = arith.muli %arg1, %mul3A_28 : i32
    "tpu.region"() ({
      %run_scoped3A = tpu.sem_alloc : memref<!tpu.dma_semaphore, #tpu.memory_space<semaphore_mem>>
      %dma_start3A = arith.constant 0 : i32
      %dma_start3A_32 = tpu.memref_slice %arg15[%mul3A_29, %dma_start3A] : memref<10112x16xf32, #tpu.memory_space<vmem_shared>> -> memref<632x16xf32, #tpu.memory_space<vmem_shared>>
      %dma_start3A_33 = arith.constant 0 : i32
      %dma_start3A_34 = tpu.memref_slice %arg15[%mul3A_29, %dma_start3A_33] : memref<10112x16xf32, #tpu.memory_space<vmem_shared>> -> memref<632x16xf32, #tpu.memory_space<vmem_shared>>
      tpu.enqueue_dma source(%dma_start3A_34 : memref<632x16xf32, #tpu.memory_space<vmem_shared>>) target(%arg14 : memref<632x16xf32, #tpu.memory_space<vmem>>) target_semaphore(%run_scoped3A : memref<!tpu.dma_semaphore, #tpu.memory_space<semaphore_mem>>)
      %dma_wait3A = arith.constant 0 : i32
      %dma_wait3A_35 = tpu.memref_slice %arg15[%mul3A_29, %dma_wait3A] : memref<10112x16xf32, #tpu.memory_space<vmem_shared>> -> memref<632x16xf32, #tpu.memory_space<vmem_shared>>
      %dma_wait3A_36 = arith.constant 0 : i32
      %dma_wait3A_37 = tpu.memref_slice %arg15[%mul3A_29, %dma_wait3A_36] : memref<10112x16xf32, #tpu.memory_space<vmem_shared>> -> memref<632x16xf32, #tpu.memory_space<vmem_shared>>
      tpu.wait_dma2 semaphore(%run_scoped3A : memref<!tpu.dma_semaphore, #tpu.memory_space<semaphore_mem>>) src(%dma_wait3A_37 : memref<632x16xf32, #tpu.memory_space<vmem_shared>>) dst(%arg14 : memref<632x16xf32, #tpu.memory_space<vmem>>)
      tpu.yield
    }) : () -> ()
    %mul3A_30 = arith.constant 632 : i32
    %mul3A_31 = arith.muli %arg1, %mul3A_30 : i32
    "tpu.region"() ({
      %run_scoped3A = tpu.sem_alloc : memref<!tpu.dma_semaphore, #tpu.memory_space<semaphore_mem>>
      %dma_start3A = arith.constant 0 : i32
      %dma_start3A_32 = tpu.memref_slice %arg9[%arg0, %mul3A_31, %dma_start3A] : memref<2x10112x16xf32, #tpu.memory_space<hbm>> -> memref<1x632x16xf32, #tpu.memory_space<hbm>>
      %dma_start3A_33 = tpu.memref_squeeze %dma_start3A_32 : memref<1x632x16xf32, #tpu.memory_space<hbm>> -> memref<632x16xf32, #tpu.memory_space<hbm>>
      %dma_start3A_34 = arith.constant 0 : i32
      %dma_start3A_35 = tpu.memref_slice %arg9[%arg0, %mul3A_31, %dma_start3A_34] : memref<2x10112x16xf32, #tpu.memory_space<hbm>> -> memref<1x632x16xf32, #tpu.memory_space<hbm>>
      %dma_start3A_36 = tpu.memref_squeeze %dma_start3A_35 : memref<1x632x16xf32, #tpu.memory_space<hbm>> -> memref<632x16xf32, #tpu.memory_space<hbm>>
      tpu.enqueue_dma source(%arg14 : memref<632x16xf32, #tpu.memory_space<vmem>>) target(%dma_start3A_36 : memref<632x16xf32, #tpu.memory_space<hbm>>) target_semaphore(%run_scoped3A : memref<!tpu.dma_semaphore, #tpu.memory_space<semaphore_mem>>)
      %dma_wait3A = arith.constant 0 : i32
      %dma_wait3A_37 = tpu.memref_slice %arg9[%arg0, %mul3A_31, %dma_wait3A] : memref<2x10112x16xf32, #tpu.memory_space<hbm>> -> memref<1x632x16xf32, #tpu.memory_space<hbm>>
      %dma_wait3A_38 = tpu.memref_squeeze %dma_wait3A_37 : memref<1x632x16xf32, #tpu.memory_space<hbm>> -> memref<632x16xf32, #tpu.memory_space<hbm>>
      %dma_wait3A_39 = arith.constant 0 : i32
      %dma_wait3A_40 = tpu.memref_slice %arg9[%arg0, %mul3A_31, %dma_wait3A_39] : memref<2x10112x16xf32, #tpu.memory_space<hbm>> -> memref<1x632x16xf32, #tpu.memory_space<hbm>>
      %dma_wait3A_41 = tpu.memref_squeeze %dma_wait3A_40 : memref<1x632x16xf32, #tpu.memory_space<hbm>> -> memref<632x16xf32, #tpu.memory_space<hbm>>
      tpu.wait_dma2 semaphore(%run_scoped3A : memref<!tpu.dma_semaphore, #tpu.memory_space<semaphore_mem>>) src(%arg14 : memref<632x16xf32, #tpu.memory_space<vmem>>) dst(%dma_wait3A_41 : memref<632x16xf32, #tpu.memory_space<hbm>>)
      tpu.yield
    }) : () -> ()
    return
  }
}

module attributes {stable_mosaic.version = 14 : i64} {
  func.func @body(%arg0: i32, %arg1: memref<4000x128xf32, #tpu.memory_space<vmem>>, %arg2: memref<4000x128xf32, #tpu.memory_space<vmem>>, %arg3: memref<4000x16xf32, #tpu.memory_space<vmem>>, %arg4: memref<256x512xbf16, #tpu.memory_space<vmem>>, %arg5: memref<256x512xbf16, #tpu.memory_space<vmem>>, %arg6: memref<16x512xbf16, #tpu.memory_space<vmem>>, %arg7: memref<512x16xbf16, #tpu.memory_space<vmem>>, %arg8: memref<1x16xf32, #tpu.memory_space<vmem>>, %arg9: memref<1x16xf32, #tpu.memory_space<vmem>>, %arg10: memref<4000x16xf32, #tpu.memory_space<vmem>>) attributes {dimension_semantics = [#tpu.dimension_semantics<arbitrary>], iteration_bounds = array<i64: 40>, scalar_prefetch = 0 : i64, scratch_operands = 0 : i64, tpu.core_type = #tpu.core_type<tc>, window_params = [{transform_indices = @transform_0, window_bounds = array<i64: 4000, 128>}, {transform_indices = @transform_1, window_bounds = array<i64: 4000, 128>}, {transform_indices = @transform_2, window_bounds = array<i64: 4000, 16>}, {pipeline_mode = #tpu.pipeline_mode<synchronous>, transform_indices = @transform_3, window_bounds = array<i64: 256, 512>}, {pipeline_mode = #tpu.pipeline_mode<synchronous>, transform_indices = @transform_4, window_bounds = array<i64: 256, 512>}, {pipeline_mode = #tpu.pipeline_mode<synchronous>, transform_indices = @transform_5, window_bounds = array<i64: 16, 512>}, {pipeline_mode = #tpu.pipeline_mode<synchronous>, transform_indices = @transform_6, window_bounds = array<i64: 512, 16>}, {pipeline_mode = #tpu.pipeline_mode<synchronous>, transform_indices = @transform_7, window_bounds = array<i64: 1, 16>}, {pipeline_mode = #tpu.pipeline_mode<synchronous>, transform_indices = @transform_8, window_bounds = array<i64: 1, 16>}, {transform_indices = @transform_9, window_bounds = array<i64: 4000, 16>}]} {
    %get3A = arith.constant 0 : index
    %get3A_0 = arith.constant 0 : index
    %get3A_1 = vector.load %arg3[%get3A, %get3A_0] : memref<4000x16xf32, #tpu.memory_space<vmem>>, vector<4000x16xf32>
    %get3A_2 = arith.constant 0 : index
    %get3A_3 = arith.constant 0 : index
    %get3A_4 = vector.load %arg1[%get3A_2, %get3A_3] : memref<4000x128xf32, #tpu.memory_space<vmem>>, vector<4000x128xf32>
    %bitcast3A = tpu.bitcast %get3A_4 : vector<4000x128xf32> -> vector<8000x128xbf16>
    %reshape3A = vector.shape_cast %bitcast3A : vector<8000x128xbf16> to vector<4000x256xbf16>
    %get3A_5 = arith.constant 0 : index
    %get3A_6 = arith.constant 0 : index
    %get3A_7 = vector.load %arg2[%get3A_5, %get3A_6] : memref<4000x128xf32, #tpu.memory_space<vmem>>, vector<4000x128xf32>
    %bitcast3A_8 = tpu.bitcast %get3A_7 : vector<4000x128xf32> -> vector<8000x128xbf16>
    %reshape3A_9 = vector.shape_cast %bitcast3A_8 : vector<8000x128xbf16> to vector<4000x256xbf16>
    %get3A_10 = arith.constant 0 : index
    %get3A_11 = arith.constant 0 : index
    %get3A_12 = vector.load %arg4[%get3A_10, %get3A_11] : memref<256x512xbf16, #tpu.memory_space<vmem>>, vector<256x512xbf16>
    %dot_general3A = arith.constant dense<0.000000e+00> : vector<4000x512xf32>
    %dot_general3A_13 = tpu.matmul %reshape3A, %get3A_12, %dot_general3A {dimension_numbers = #tpu.dot_dimension_numbers<[1], [0], [0], [1], [0, 0, 1, 1], [], []>, transpose_lhs_hint = false} : vector<4000x256xbf16>, vector<256x512xbf16>, vector<4000x512xf32> -> vector<4000x512xf32>
    %get3A_14 = arith.constant 0 : index
    %get3A_15 = arith.constant 0 : index
    %get3A_16 = vector.load %arg5[%get3A_14, %get3A_15] : memref<256x512xbf16, #tpu.memory_space<vmem>>, vector<256x512xbf16>
    %dot_general3A_17 = arith.constant dense<0.000000e+00> : vector<4000x512xf32>
    %dot_general3A_18 = tpu.matmul %reshape3A_9, %get3A_16, %dot_general3A_17 {dimension_numbers = #tpu.dot_dimension_numbers<[1], [0], [0], [1], [0, 0, 1, 1], [], []>, transpose_lhs_hint = false} : vector<4000x256xbf16>, vector<256x512xbf16>, vector<4000x512xf32> -> vector<4000x512xf32>
    %add3A = arith.addf %dot_general3A_13, %dot_general3A_18 : vector<4000x512xf32>
    %convert_element_type3A = arith.truncf %get3A_1 : vector<4000x16xf32> to vector<4000x16xbf16>
    %get3A_19 = arith.constant 0 : index
    %get3A_20 = arith.constant 0 : index
    %get3A_21 = vector.load %arg6[%get3A_19, %get3A_20] : memref<16x512xbf16, #tpu.memory_space<vmem>>, vector<16x512xbf16>
    %dot_general3A_22 = arith.constant dense<0.000000e+00> : vector<4000x512xf32>
    %dot_general3A_23 = tpu.matmul %convert_element_type3A, %get3A_21, %dot_general3A_22 {dimension_numbers = #tpu.dot_dimension_numbers<[1], [0], [0], [1], [0, 0, 1, 1], [], []>, transpose_lhs_hint = false} : vector<4000x16xbf16>, vector<16x512xbf16>, vector<4000x512xf32> -> vector<4000x512xf32>
    %add3A_24 = arith.addf %add3A, %dot_general3A_23 : vector<4000x512xf32>
    %logistic3A = arith.negf %add3A_24 : vector<4000x512xf32>
    %logistic3A_25 = math.exp %logistic3A : vector<4000x512xf32>
    %logistic3A_26 = arith.constant 1.000000e+00 : f32
    %logistic3A_27 = vector.broadcast %logistic3A_26 : f32 to vector<4000x512xf32>
    %logistic3A_28 = arith.addf %logistic3A_27, %logistic3A_25 : vector<4000x512xf32>
    %logistic3A_29 = arith.divf %logistic3A_27, %logistic3A_28 : vector<4000x512xf32>
    %mul3A = arith.mulf %add3A_24, %logistic3A_29 : vector<4000x512xf32>
    %convert_element_type3A_30 = arith.truncf %mul3A : vector<4000x512xf32> to vector<4000x512xbf16>
    %get3A_31 = arith.constant 0 : index
    %get3A_32 = arith.constant 0 : index
    %get3A_33 = vector.load %arg7[%get3A_31, %get3A_32] : memref<512x16xbf16, #tpu.memory_space<vmem>>, vector<512x16xbf16>
    %dot_general3A_34 = arith.constant dense<0.000000e+00> : vector<4000x16xf32>
    %dot_general3A_35 = tpu.matmul %convert_element_type3A_30, %get3A_33, %dot_general3A_34 {dimension_numbers = #tpu.dot_dimension_numbers<[1], [0], [0], [1], [0, 0, 1, 1], [], []>, transpose_lhs_hint = false} : vector<4000x512xbf16>, vector<512x16xbf16>, vector<4000x16xf32> -> vector<4000x16xf32>
    %reduce_sum3A = arith.constant dense<0.000000e+00> : vector<4000xf32>
    %reduce_sum3A_36 = vector.multi_reduction <add>, %dot_general3A_35, %reduce_sum3A [1] : vector<4000x16xf32> to vector<4000xf32>
    %broadcast_in_dim3A = vector.shape_cast %reduce_sum3A_36 : vector<4000xf32> to vector<4000x1xf32>
    %div3A = arith.constant 1.600000e+01 : f32
    %div3A_37 = vector.broadcast %div3A : f32 to vector<4000x1xf32>
    %div3A_38 = arith.divf %broadcast_in_dim3A, %div3A_37 : vector<4000x1xf32>
    %sub3A = vector.broadcast %div3A_38 : vector<4000x1xf32> to vector<4000x16xf32>
    %sub3A_39 = arith.subf %dot_general3A_35, %sub3A : vector<4000x16xf32>
    %sub3A_40 = vector.broadcast %div3A_38 : vector<4000x1xf32> to vector<4000x16xf32>
    %sub3A_41 = arith.subf %dot_general3A_35, %sub3A_40 : vector<4000x16xf32>
    %mul3A_42 = arith.mulf %sub3A_39, %sub3A_41 : vector<4000x16xf32>
    %reduce_sum3A_43 = arith.constant dense<0.000000e+00> : vector<4000xf32>
    %reduce_sum3A_44 = vector.multi_reduction <add>, %mul3A_42, %reduce_sum3A_43 [1] : vector<4000x16xf32> to vector<4000xf32>
    %broadcast_in_dim3A_45 = vector.shape_cast %reduce_sum3A_44 : vector<4000xf32> to vector<4000x1xf32>
    %div3A_46 = arith.constant 1.600000e+01 : f32
    %div3A_47 = vector.broadcast %div3A_46 : f32 to vector<4000x1xf32>
    %div3A_48 = arith.divf %broadcast_in_dim3A_45, %div3A_47 : vector<4000x1xf32>
    %sub3A_49 = vector.broadcast %div3A_38 : vector<4000x1xf32> to vector<4000x16xf32>
    %sub3A_50 = arith.subf %dot_general3A_35, %sub3A_49 : vector<4000x16xf32>
    %add3A_51 = arith.constant 9.99999974E-6 : f32
    %add3A_52 = vector.broadcast %add3A_51 : f32 to vector<4000x1xf32>
    %add3A_53 = arith.addf %div3A_48, %add3A_52 : vector<4000x1xf32>
    %rsqrt3A = math.rsqrt %add3A_53 : vector<4000x1xf32>
    %mul3A_54 = vector.broadcast %rsqrt3A : vector<4000x1xf32> to vector<4000x16xf32>
    %mul3A_55 = arith.mulf %sub3A_50, %mul3A_54 : vector<4000x16xf32>
    %get3A_56 = arith.constant 0 : index
    %get3A_57 = arith.constant 0 : index
    %get3A_58 = vector.load %arg8[%get3A_56, %get3A_57] : memref<1x16xf32, #tpu.memory_space<vmem>>, vector<1x16xf32>
    %mul3A_59 = vector.broadcast %get3A_58 : vector<1x16xf32> to vector<4000x16xf32>
    %mul3A_60 = arith.mulf %mul3A_55, %mul3A_59 : vector<4000x16xf32>
    %get3A_61 = arith.constant 0 : index
    %get3A_62 = arith.constant 0 : index
    %get3A_63 = vector.load %arg9[%get3A_61, %get3A_62] : memref<1x16xf32, #tpu.memory_space<vmem>>, vector<1x16xf32>
    %add3A_64 = vector.broadcast %get3A_63 : vector<1x16xf32> to vector<4000x16xf32>
    %add3A_65 = arith.addf %mul3A_60, %add3A_64 : vector<4000x16xf32>
    %add3A_66 = arith.addf %add3A_65, %get3A_1 : vector<4000x16xf32>
    %swap3A = arith.constant 0 : index
    %swap3A_67 = arith.constant 0 : index
    %swap3A_68 = vector.load %arg10[%swap3A, %swap3A_67] : memref<4000x16xf32, #tpu.memory_space<vmem>>, vector<4000x16xf32>
    tpu.vector_store %arg10[%swap3A, %swap3A_67], %add3A_66 {strides = array<i32>} : memref<4000x16xf32, #tpu.memory_space<vmem>>, vector<4000x16xf32>,
    return
  }
  func.func @transform_0(%arg0: i32) -> (i32, i32) {
    %c0_i32 = arith.constant 0 : i32
    %c0_i32_0 = arith.constant 0 : i32
    return %arg0, %c0_i32 : i32, i32
  }
  func.func @transform_1(%arg0: i32) -> (i32, i32) {
    %c0_i32 = arith.constant 0 : i32
    %c0_i32_0 = arith.constant 0 : i32
    return %arg0, %c0_i32 : i32, i32
  }
  func.func @transform_2(%arg0: i32) -> (i32, i32) {
    %c0_i32 = arith.constant 0 : i32
    %c0_i32_0 = arith.constant 0 : i32
    return %arg0, %c0_i32 : i32, i32
  }
  func.func @transform_3(%arg0: i32) -> (i32, i32) {
    %c0_i32 = arith.constant 0 : i32
    %c0_i32_0 = arith.constant 0 : i32
    %c0_i32_1 = arith.constant 0 : i32
    return %c0_i32, %c0_i32_0 : i32, i32
  }
  func.func @transform_4(%arg0: i32) -> (i32, i32) {
    %c0_i32 = arith.constant 0 : i32
    %c0_i32_0 = arith.constant 0 : i32
    %c0_i32_1 = arith.constant 0 : i32
    return %c0_i32, %c0_i32_0 : i32, i32
  }
  func.func @transform_5(%arg0: i32) -> (i32, i32) {
    %c0_i32 = arith.constant 0 : i32
    %c0_i32_0 = arith.constant 0 : i32
    %c0_i32_1 = arith.constant 0 : i32
    return %c0_i32, %c0_i32_0 : i32, i32
  }
  func.func @transform_6(%arg0: i32) -> (i32, i32) {
    %c0_i32 = arith.constant 0 : i32
    %c0_i32_0 = arith.constant 0 : i32
    %c0_i32_1 = arith.constant 0 : i32
    return %c0_i32, %c0_i32_0 : i32, i32
  }
  func.func @transform_7(%arg0: i32) -> (i32, i32) {
    %c0_i32 = arith.constant 0 : i32
    %c0_i32_0 = arith.constant 0 : i32
    %c0_i32_1 = arith.constant 0 : i32
    return %c0_i32, %c0_i32_0 : i32, i32
  }
  func.func @transform_8(%arg0: i32) -> (i32, i32) {
    %c0_i32 = arith.constant 0 : i32
    %c0_i32_0 = arith.constant 0 : i32
    %c0_i32_1 = arith.constant 0 : i32
    return %c0_i32, %c0_i32_0 : i32, i32
  }
  func.func @transform_9(%arg0: i32) -> (i32, i32) {
    %c0_i32 = arith.constant 0 : i32
    %c0_i32_0 = arith.constant 0 : i32
    return %arg0, %c0_i32 : i32, i32
  }
}

module attributes {stable_mosaic.version = 14 : i64} {
  func.func @body(%arg0: i32, %arg1: memref<512x256xf32, #tpu.memory_space<vmem>>, %arg2: memref<512x16xf32, #tpu.memory_space<vmem>>, %arg3: memref<512x16xf32, #tpu.memory_space<vmem>>, %arg4: memref<256x512xbf16, #tpu.memory_space<vmem>>, %arg5: memref<16x512xbf16, #tpu.memory_space<vmem>>, %arg6: memref<512x256xbf16, #tpu.memory_space<vmem>>, %arg7: memref<1x256xf32, #tpu.memory_space<vmem>>, %arg8: memref<1x256xf32, #tpu.memory_space<vmem>>, %arg9: memref<512x256xf32, #tpu.memory_space<vmem>>) attributes {dimension_semantics = [#tpu.dimension_semantics<arbitrary>], iteration_bounds = array<i64: 20>, scalar_prefetch = 0 : i64, scratch_operands = 0 : i64, tpu.core_type = #tpu.core_type<tc>, window_params = [{transform_indices = @transform_0, window_bounds = array<i64: 512, 256>}, {transform_indices = @transform_1, window_bounds = array<i64: 512, 16>}, {transform_indices = @transform_2, window_bounds = array<i64: 512, 16>}, {pipeline_mode = #tpu.pipeline_mode<synchronous>, transform_indices = @transform_3, window_bounds = array<i64: 256, 512>}, {pipeline_mode = #tpu.pipeline_mode<synchronous>, transform_indices = @transform_4, window_bounds = array<i64: 16, 512>}, {pipeline_mode = #tpu.pipeline_mode<synchronous>, transform_indices = @transform_5, window_bounds = array<i64: 512, 256>}, {pipeline_mode = #tpu.pipeline_mode<synchronous>, transform_indices = @transform_6, window_bounds = array<i64: 1, 256>}, {pipeline_mode = #tpu.pipeline_mode<synchronous>, transform_indices = @transform_7, window_bounds = array<i64: 1, 256>}, {transform_indices = @transform_8, window_bounds = array<i64: 512, 256>}]} {
    %get3A = arith.constant 0 : index
    %get3A_0 = arith.constant 0 : index
    %get3A_1 = vector.load %arg1[%get3A, %get3A_0] : memref<512x256xf32, #tpu.memory_space<vmem>>, vector<512x256xf32>
    %get3A_2 = arith.constant 0 : index
    %get3A_3 = arith.constant 0 : index
    %get3A_4 = vector.load %arg2[%get3A_2, %get3A_3] : memref<512x16xf32, #tpu.memory_space<vmem>>, vector<512x16xf32>
    %get3A_5 = arith.constant 0 : index
    %get3A_6 = arith.constant 0 : index
    %get3A_7 = vector.load %arg3[%get3A_5, %get3A_6] : memref<512x16xf32, #tpu.memory_space<vmem>>, vector<512x16xf32>
    %add3A = arith.addf %get3A_4, %get3A_7 : vector<512x16xf32>
    %convert_element_type3A = arith.truncf %get3A_1 : vector<512x256xf32> to vector<512x256xbf16>
    %get3A_8 = arith.constant 0 : index
    %get3A_9 = arith.constant 0 : index
    %get3A_10 = vector.load %arg4[%get3A_8, %get3A_9] : memref<256x512xbf16, #tpu.memory_space<vmem>>, vector<256x512xbf16>
    %dot_general3A = arith.constant dense<0.000000e+00> : vector<512x512xf32>
    %dot_general3A_11 = tpu.matmul %convert_element_type3A, %get3A_10, %dot_general3A {dimension_numbers = #tpu.dot_dimension_numbers<[1], [0], [0], [1], [0, 0, 1, 1], [], []>, transpose_lhs_hint = false} : vector<512x256xbf16>, vector<256x512xbf16>, vector<512x512xf32> -> vector<512x512xf32>
    %convert_element_type3A_12 = arith.truncf %add3A : vector<512x16xf32> to vector<512x16xbf16>
    %get3A_13 = arith.constant 0 : index
    %get3A_14 = arith.constant 0 : index
    %get3A_15 = vector.load %arg5[%get3A_13, %get3A_14] : memref<16x512xbf16, #tpu.memory_space<vmem>>, vector<16x512xbf16>
    %dot_general3A_16 = arith.constant dense<0.000000e+00> : vector<512x512xf32>
    %dot_general3A_17 = tpu.matmul %convert_element_type3A_12, %get3A_15, %dot_general3A_16 {dimension_numbers = #tpu.dot_dimension_numbers<[1], [0], [0], [1], [0, 0, 1, 1], [], []>, transpose_lhs_hint = false} : vector<512x16xbf16>, vector<16x512xbf16>, vector<512x512xf32> -> vector<512x512xf32>
    %add3A_18 = arith.addf %dot_general3A_11, %dot_general3A_17 : vector<512x512xf32>
    %logistic3A = arith.negf %add3A_18 : vector<512x512xf32>
    %logistic3A_19 = math.exp %logistic3A : vector<512x512xf32>
    %logistic3A_20 = arith.constant 1.000000e+00 : f32
    %logistic3A_21 = vector.broadcast %logistic3A_20 : f32 to vector<512x512xf32>
    %logistic3A_22 = arith.addf %logistic3A_21, %logistic3A_19 : vector<512x512xf32>
    %logistic3A_23 = arith.divf %logistic3A_21, %logistic3A_22 : vector<512x512xf32>
    %mul3A = arith.mulf %add3A_18, %logistic3A_23 : vector<512x512xf32>
    %convert_element_type3A_24 = arith.truncf %mul3A : vector<512x512xf32> to vector<512x512xbf16>
    %get3A_25 = arith.constant 0 : index
    %get3A_26 = arith.constant 0 : index
    %get3A_27 = vector.load %arg6[%get3A_25, %get3A_26] : memref<512x256xbf16, #tpu.memory_space<vmem>>, vector<512x256xbf16>
    %dot_general3A_28 = arith.constant dense<0.000000e+00> : vector<512x256xf32>
    %dot_general3A_29 = tpu.matmul %convert_element_type3A_24, %get3A_27, %dot_general3A_28 {dimension_numbers = #tpu.dot_dimension_numbers<[1], [0], [0], [1], [0, 0, 1, 1], [], []>, transpose_lhs_hint = false} : vector<512x512xbf16>, vector<512x256xbf16>, vector<512x256xf32> -> vector<512x256xf32>
    %reduce_sum3A = arith.constant dense<0.000000e+00> : vector<512xf32>
    %reduce_sum3A_30 = vector.multi_reduction <add>, %dot_general3A_29, %reduce_sum3A [1] : vector<512x256xf32> to vector<512xf32>
    %broadcast_in_dim3A = vector.shape_cast %reduce_sum3A_30 : vector<512xf32> to vector<512x1xf32>
    %div3A = arith.constant 2.560000e+02 : f32
    %div3A_31 = vector.broadcast %div3A : f32 to vector<512x1xf32>
    %div3A_32 = arith.divf %broadcast_in_dim3A, %div3A_31 : vector<512x1xf32>
    %sub3A = vector.broadcast %div3A_32 : vector<512x1xf32> to vector<512x256xf32>
    %sub3A_33 = arith.subf %dot_general3A_29, %sub3A : vector<512x256xf32>
    %sub3A_34 = vector.broadcast %div3A_32 : vector<512x1xf32> to vector<512x256xf32>
    %sub3A_35 = arith.subf %dot_general3A_29, %sub3A_34 : vector<512x256xf32>
    %mul3A_36 = arith.mulf %sub3A_33, %sub3A_35 : vector<512x256xf32>
    %reduce_sum3A_37 = arith.constant dense<0.000000e+00> : vector<512xf32>
    %reduce_sum3A_38 = vector.multi_reduction <add>, %mul3A_36, %reduce_sum3A_37 [1] : vector<512x256xf32> to vector<512xf32>
    %broadcast_in_dim3A_39 = vector.shape_cast %reduce_sum3A_38 : vector<512xf32> to vector<512x1xf32>
    %div3A_40 = arith.constant 2.560000e+02 : f32
    %div3A_41 = vector.broadcast %div3A_40 : f32 to vector<512x1xf32>
    %div3A_42 = arith.divf %broadcast_in_dim3A_39, %div3A_41 : vector<512x1xf32>
    %sub3A_43 = vector.broadcast %div3A_32 : vector<512x1xf32> to vector<512x256xf32>
    %sub3A_44 = arith.subf %dot_general3A_29, %sub3A_43 : vector<512x256xf32>
    %add3A_45 = arith.constant 9.99999974E-6 : f32
    %add3A_46 = vector.broadcast %add3A_45 : f32 to vector<512x1xf32>
    %add3A_47 = arith.addf %div3A_42, %add3A_46 : vector<512x1xf32>
    %rsqrt3A = math.rsqrt %add3A_47 : vector<512x1xf32>
    %mul3A_48 = vector.broadcast %rsqrt3A : vector<512x1xf32> to vector<512x256xf32>
    %mul3A_49 = arith.mulf %sub3A_44, %mul3A_48 : vector<512x256xf32>
    %get3A_50 = arith.constant 0 : index
    %get3A_51 = arith.constant 0 : index
    %get3A_52 = vector.load %arg7[%get3A_50, %get3A_51] : memref<1x256xf32, #tpu.memory_space<vmem>>, vector<1x256xf32>
    %mul3A_53 = vector.broadcast %get3A_52 : vector<1x256xf32> to vector<512x256xf32>
    %mul3A_54 = arith.mulf %mul3A_49, %mul3A_53 : vector<512x256xf32>
    %get3A_55 = arith.constant 0 : index
    %get3A_56 = arith.constant 0 : index
    %get3A_57 = vector.load %arg8[%get3A_55, %get3A_56] : memref<1x256xf32, #tpu.memory_space<vmem>>, vector<1x256xf32>
    %add3A_58 = vector.broadcast %get3A_57 : vector<1x256xf32> to vector<512x256xf32>
    %add3A_59 = arith.addf %mul3A_54, %add3A_58 : vector<512x256xf32>
    %add3A_60 = arith.addf %add3A_59, %get3A_1 : vector<512x256xf32>
    %swap3A = arith.constant 0 : index
    %swap3A_61 = arith.constant 0 : index
    %swap3A_62 = vector.load %arg9[%swap3A, %swap3A_61] : memref<512x256xf32, #tpu.memory_space<vmem>>, vector<512x256xf32>
    tpu.vector_store %arg9[%swap3A, %swap3A_61], %add3A_60 {strides = array<i32>} : memref<512x256xf32, #tpu.memory_space<vmem>>, vector<512x256xf32>,
    return
  }
  func.func @transform_0(%arg0: i32) -> (i32, i32) {
    %c0_i32 = arith.constant 0 : i32
    %c0_i32_0 = arith.constant 0 : i32
    return %arg0, %c0_i32 : i32, i32
  }
  func.func @transform_1(%arg0: i32) -> (i32, i32) {
    %c0_i32 = arith.constant 0 : i32
    %c0_i32_0 = arith.constant 0 : i32
    return %arg0, %c0_i32 : i32, i32
  }
  func.func @transform_2(%arg0: i32) -> (i32, i32) {
    %c0_i32 = arith.constant 0 : i32
    %c0_i32_0 = arith.constant 0 : i32
    return %arg0, %c0_i32 : i32, i32
  }
  func.func @transform_3(%arg0: i32) -> (i32, i32) {
    %c0_i32 = arith.constant 0 : i32
    %c0_i32_0 = arith.constant 0 : i32
    %c0_i32_1 = arith.constant 0 : i32
    return %c0_i32, %c0_i32_0 : i32, i32
  }
  func.func @transform_4(%arg0: i32) -> (i32, i32) {
    %c0_i32 = arith.constant 0 : i32
    %c0_i32_0 = arith.constant 0 : i32
    %c0_i32_1 = arith.constant 0 : i32
    return %c0_i32, %c0_i32_0 : i32, i32
  }
  func.func @transform_5(%arg0: i32) -> (i32, i32) {
    %c0_i32 = arith.constant 0 : i32
    %c0_i32_0 = arith.constant 0 : i32
    %c0_i32_1 = arith.constant 0 : i32
    return %c0_i32, %c0_i32_0 : i32, i32
  }
  func.func @transform_6(%arg0: i32) -> (i32, i32) {
    %c0_i32 = arith.constant 0 : i32
    %c0_i32_0 = arith.constant 0 : i32
    %c0_i32_1 = arith.constant 0 : i32
    return %c0_i32, %c0_i32_0 : i32, i32
  }
  func.func @transform_7(%arg0: i32) -> (i32, i32) {
    %c0_i32 = arith.constant 0 : i32
    %c0_i32_0 = arith.constant 0 : i32
    %c0_i32_1 = arith.constant 0 : i32
    return %c0_i32, %c0_i32_0 : i32, i32
  }
  func.func @transform_8(%arg0: i32) -> (i32, i32) {
    %c0_i32 = arith.constant 0 : i32
    %c0_i32_0 = arith.constant 0 : i32
    return %arg0, %c0_i32 : i32, i32
  }
}

</mosaic_0001>

<sc_bundles>
// kernel: kernel.5.cloned.1.call-start
scs
__scs_entry_jumppad:
0x0: {  	(pc) =	sbr.rel $0x88, $3  }
0x1: {  	(tag) =	ssettag $0x0;
	lr =	simm.s32 $0x1  }
0x2: {  	[smem:$0x3F95] =	sst lr;
	_ =	strace $0xD0000000  }
0x3: {  	_ = 	snop  }
0x4: {  	_ = 	snop  }
0x5: {  	_ = 	snop  }
0x6: {  	_ = 	snop  }
0x7: {  	_ = 	snop  }
__scs_overlays_trampoline_lowered:
0x8: {  	[smem:$0x3FA4] =	sst s0  }
0x9: {  	[smem:$0x3FA5] =	sst s1  }
0xa: {  	[smem:$0x3FA6] =	sst s2  }
0xb: {  	[smem:$0x3FA7] =	sst s3  }
0xc: {  	[smem:$0x3FA8] =	sst s4  }
0xd: {  	[smem:$0x3FA9] =	sst s5  }
0xe: {  	[smem:$0x3FAA] =	sst s6  }
0xf: {  	[smem:$0x3FAB] =	sst s7  }
0x10: {  	[smem:$0x3FAC] =	sst s8  }
0x11: {  	[smem:$0x3FAD] =	sst s9;
	s0 =	simm.s32 @!p0 $0x0  }
0x12: {  	s1 =	sld [smem:$0x3F93];
	s0 =	simm.s32 @p0 $0x1  }
0x13: {  	[smem:$0x3FAE] =	sst s0;
	s0 =	simm.s32 @!p1 $0x0  }
0x14: {  	s2 =	sld [smem:$0x3F92];
	s0 =	simm.s32 @p1 $0x1  }
0x15: {  	[smem:$0x3FAF] =	sst s0;
	s0 =	simm.s32 @!p2 $0x0  }
0x16: {  	s3 =	sld [smem:$0x3FDB];
	s0 =	simm.s32 @p2 $0x1  }
0x17: {  	s4 =	simm.s32 $0x1BF5;
	[smem:$0x3FB1] =	sst s0  }
0x18: {  	s0 =	sld [smem:$0x3F94];
	_ =	swait.ge [sflag:s4], $0x0  }
0x19: {  	s7 =	sld [smem:$0x3F95]  }
0x1a: {  	s8 =	sadd.s32 $0xFFFFE003, lr  }
0x1b: {  	s9 =	sadd.s32 $0xFFFFFEF7, lr;
	s5 =	simm.s32 $0xFFFFFFFF;
	p2 =	slt.u32 s8, $0xFFFFF086  }
0x1c: {  	p1 =	slt.u32 s9, $0xF7A;
	s5 =	simm.s32 @!p2 $0x0  }
0x1d: {  	s5 =	simm.s32 @p1 $0x1;
	p0 =	seq.s32 s7, s2  }
0x1e: {  	s7 =	smul.u32 @!p0 $0xF7A, s2;
	p2 =	seq.s32 @!p0 s5, $0x0  }
0x1f: {  	s9 =	smul.u32 $0xF7A, s1;
	s8 =	simm.s32 @!p0 $0x1BF5;
	p2 =	por !p2, p0  }
0x20: {  	[sflag:s8] =	ssyncset.s32 @!p0 $0xFFFFF086;
	s6 =	sadd.s32 @!p0 s3, s7;
	s7 =	simm.s32 @!p0 $0x108  }
0x21: {  	s3 =	sadd.s32 s3, s9;
	s6 =	sadd.s32 @!p0 $0x88, s6;
	s7 =	simm.s32 @p2 $0x1082  }
0x22: {  	[simem:s7], [sflag:s8] =	dma.local @!p0 [hbm:s6], $0xF7A  }
0x23: {  	s9 =	sor.u32 $0xD0000000, s2;
	s6 =	simm.s32 $0x108;
	_ =	swait.ge @!p0 [sflag:s8], $0x0  }
0x24: {  	s3 =	sadd.s32 $0x88, s3;
	s6 =	simm.s32 @!p1 $0x1082;
	[sflag:s4] =	ssyncset.s32 $0xFFFFF086  }
0x25: {  	[simem:s6], [sflag:s4] =	dma.local [hbm:s3], $0xF7A  }
0x26: {  	[smem:$0x3F95] =	sst s1;
	(tag) =	ssettag s2;
	_ =	strace s9  }
0x27: {  	s1 =	sld [smem:$0x3FA5]  }
0x28: {  	s2 =	sld [smem:$0x3FA6]  }
0x29: {  	s4 =	sld [smem:$0x3FA8]  }
0x2a: {  	p0 =	seq.s32 s5, $0x0;
	s5 =	sld [smem:$0x3FA9]  }
0x2b: {  	s6 =	sld [smem:$0x3FAA]  }
0x2c: {  	s7 =	sld [smem:$0x3FAB]  }
0x2d: {  	s3 =	simm.s32 $0x108;
	s8 =	sld [smem:$0x3FAC]  }
0x2e: {  	s3 =	simm.s32 @!p0 $0x1082;
	s9 =	sld [smem:$0x3FAD]  }
0x2f: {  	lr =	sadd.s32 s0, s3;
	s0 =	sld [smem:$0x3FA4]  }
0x30: {  	s3 =	sld [smem:$0x3FA7]  }
0x31: {  	[smem:$0x3FB0] =	sst s10  }
0x32: {  	s10 =	sld [smem:$0x3FAE];
	_ =	sdelay $0x3  }
0x33: {  	p0 =	seq.s32 s10, $0x1;
	s10 =	sld [smem:$0x3FB0];
	_ =	sdelay $0x3  }
0x34: {  	[smem:$0x3FB0] =	sst s10  }
0x35: {  	s10 =	sld [smem:$0x3FAF];
	_ =	sdelay $0x3  }
0x36: {  	p1 =	seq.s32 s10, $0x1;
	s10 =	sld [smem:$0x3FB0];
	_ =	sdelay $0x3  }
0x37: {  	[smem:$0x3FB0] =	sst s10  }
0x38: {  	s10 =	sld [smem:$0x3FB1]  }
0x39: {  	_ = 	snop;
	(pc) =	sbr.ind lr, $3  }
0x3a: {  	_ = 	snop  }
0x3b: {  	_ = 	snop  }
0x3c: {  	p2 =	seq.s32 s10, $0x1;
	s10 =	sld [smem:$0x3FB0]  }
0x3d: {  	_ =	shalt  }
0x3e: {  	_ =	shalt  }
0x3f: {  	_ =	shalt  }
0x40: {  	_ =	shalt  }
0x41: {  	_ =	shalt  }
0x42: {  	_ =	shalt  }
0x43: {  	_ =	shalt  }
0x44: {  	_ =	shalt  }
0x45: {  	_ =	shalt  }
0x46: {  	_ =	shalt  }
0x47: {  	_ =	shalt  }
0x48: {  	_ =	shalt  }
0x49: {  	_ =	shalt  }
0x4a: {  	_ =	shalt  }
0x4b: {  	_ =	shalt  }
0x4c: {  	_ =	shalt  }
0x4d: {  	_ =	shalt  }
0x4e: {  	_ =	shalt  }
0x4f: {  	_ =	shalt  }
0x50: {  	_ =	shalt  }
0x51: {  	_ =	shalt  }
0x52: {  	_ =	shalt  }
0x53: {  	_ =	shalt  }
0x54: {  	_ =	shalt  }
0x55: {  	_ =	shalt  }
0x56: {  	_ =	shalt  }
0x57: {  	_ =	shalt  }
0x58: {  	_ =	shalt  }
0x59: {  	_ =	shalt  }
0x5a: {  	_ =	shalt  }
0x5b: {  	_ =	shalt  }
0x5c: {  	_ =	shalt  }
0x5d: {  	_ =	shalt  }
0x5e: {  	_ =	shalt  }
0x5f: {  	_ =	shalt  }
0x60: {  	_ =	shalt  }
0x61: {  	_ =	shalt  }
0x62: {  	_ =	shalt  }
0x63: {  	_ =	shalt  }
0x64: {  	_ =	shalt  }
0x65: {  	_ =	shalt  }
0x66: {  	_ =	shalt  }
0x67: {  	_ =	shalt  }
0x68: {  	_ =	shalt  }
0x69: {  	_ =	shalt  }
0x6a: {  	_ =	shalt  }
0x6b: {  	_ =	shalt  }
0x6c: {  	_ =	shalt  }
0x6d: {  	_ =	shalt  }
0x6e: {  	_ =	shalt  }
0x6f: {  	_ =	shalt  }
0x70: {  	_ =	shalt  }
0x71: {  	_ =	shalt  }
0x72: {  	_ =	shalt  }
0x73: {  	_ =	shalt  }
0x74: {  	_ =	shalt  }
0x75: {  	_ =	shalt  }
0x76: {  	_ =	shalt  }
0x77: {  	_ =	shalt  }
0x78: {  	_ =	shalt  }
0x79: {  	_ =	shalt  }
0x7a: {  	_ =	shalt  }
0x7b: {  	_ =	shalt  }
0x7c: {  	_ =	shalt  }
0x7d: {  	_ =	shalt  }
0x7e: {  	_ =	shalt  }
0x7f: {  	_ =	shalt  }
0x80: {  	_ =	shalt  }
0x81: {  	_ =	shalt  }
0x82: {  	_ =	shalt  }
0x83: {  	_ =	shalt  }
0x84: {  	_ =	shalt  }
0x85: {  	_ =	shalt  }
0x86: {  	_ =	shalt  }
0x87: {  	_ =	shalt  }
.Lfunc_end0:
.L_simem_size_0:
called_computation_lowered:
.L_overlay_start_0:
0x88: {  	s2 =	sld [smem:$0x3FD9]  }
0x89: {  	s3 =	sld [smem:$0x3FFE];
	_ =	sdelay $0x1  }
0x8a: {  	s1 =	srdreg.scid  }
0x8b: {  	s0 =	sand.u32 $0x1, s1  }
0x8c: {  	s14 =	sshll.u32 s0, $0xA;
	s2 =	sadd.s32 s3, s2  }
0x8d: {  	s2 =	sadd.s32 s2, s14  }
0x8e: {  	[smem:$0x3FBC] =	sst s2  }
0x8f: {  	_ = 	snop  }
0x90: {  	s2 =	sld [smem:$0x3FD0];
	_ =	sdelay $0x2  }
0x91: {  	s15 =	simm.s32 $0xA;
	s4 =	simm.s32 $0x10  }
0x92: {  	[smem:s4], [sflag:s15] =	dma.local [hbm:s2], $0x1  }
0x93: {  	_ =	swait.eq [sflag:s15], $0x1  }
0x94: {  	[sflag:s15] =	ssyncset.done $0x0  }
0x95: {  	s16 =	sld [smem:$0x10];
	[sflag:s15] =	ssyncadd.s32 $0xFFFFFFFF  }
0x96: {  	s17 =	sld [smem:$0x11];
	(tm) =	ssettm $0x1  }
0x97: {  	s18 =	sld [smem:$0x3FFB];
	_ =	sdelay $0x3  }
0x98: {  	_ =	strace s18  }
0x99: {  	s4 =	sld [smem:$0x3FFC];
	_ =	sdelay $0x3  }
0x9a: {  	_ =	strace s4  }
0x9b: {  	s4 =	sld [smem:$0x3FFD];
	_ =	sdelay $0x3  }
0x9c: {  	_ =	strace s4  }
0x9d: {  	_ =	strace $0x8FFFFFFF  }
0x9e: {  	s19 =	sld [smem:$0x3FDB];
	_ =	sdelay $0x1  }
0x9f: {  	s5 =	simm.s32 $_scs_section_size  }
0xa0: {  	s6 =	simm.s32 $_size__tile_overlayer_lowered;
	s7 =	simm.s32 $_tile_overlayer_lowered  }
0xa1: {  	s22 =	simm.s32 $0x1BFF;
	s21 =	sshll.u32 s7, $0x1;
	s4 =	sadd.s32 s5, s19  }
0xa2: {  	s8 =	simm.s32 $0x0;
	s20 =	sshll.u32 s6, $0x1;
	s6 =	sadd.s32 s21, s4  }
0xa3: {  	[timem:s8], [sflag:s22] =	dma.local [hbm:s6], s20  }
0xa4: {  	_ =	swait.ge [sflag:s22], s20  }
0xa5: {  	s5 =	ssub.s32 $0x0, s20;
	[sflag:s22] =	ssyncset.done $0x0  }
0xa6: {  	[sflag:s22] =	ssyncadd.s32 s5;
	_ =	sdelay $0x1  }
0xa7: {  	s23 =	simm.s32 $0x1B8B  }
0xa8: {  	_ =	swait.ge [sflag:s23], $0x1  }
0xa9: {  	[sflag:s23] =	ssyncset.done $0x0  }
0xaa: {  	s25 =	simm.s32 $0x1B8E;
	s24 =	sld [smem:$0x3FFE];
	[sflag:s23] =	ssyncadd.s32 $0xFFFFFFFF  }
0xab: {  	s26 =	simm.s32 $execute0_lowered;
	[smem:$0x3FD2] =	sst s25  }
0xac: {  	s6 =	sshll.u32 s26, $0x1;
	_ =	strace $0x80000046;
	[dreg:$0x1] =	wrdreg $0xFFFFFFFF  }
0xad: {  	s28 =	simm.s32 $_size_execute0_lowered;
	s4 =	sadd.s32 s4, s6;
	[dreg:$0x0] =	wrdreg $0x0  }
0xae: {  	s6 =	sshll.u32 s28, $0x1;
	[dreg:$0x2] =	wrdreg s4  }
0xaf: {  	[dreg:$0x3] =	wrdreg s6  }
0xb0: {  	[dreg:$0x4] =	wrdreg $0xC0  }
0xb1: {  	_ =	task [dreg:s8], $0x5FFFF  }
0xb2: {  	[dreg:$0x1] =	wrdreg $0xFFFFFFFF  }
0xb3: {  	[dreg:$0x0] =	wrdreg $0x60  }
0xb4: {  	[dreg:$0x2] =	wrdreg s16  }
0xb5: {  	[dreg:$0x3] =	wrdreg s24  }
0xb6: {  	[dreg:$0x4] =	wrdreg s17  }
0xb7: {  	[dreg:$0x5] =	wrdreg $0xEB800  }
0xb8: {  	[dreg:$0x6] =	wrdreg $0x9  }
0xb9: {  	_ =	task.clear_ibuf [dreg:s8], $0x7FFFF;
	_ =	strace $0x90000046  }
0xba: {  	s29 =	simm.s32 $0x9;
	_ =	strace $0x80000048  }
0xbb: {  	_ =	swait.ge [sflag:s29], $0x1  }
0xbc: {  	[sflag:s29] =	ssyncadd.s32 $0xFFFFFFFF  }
0xbd: {  	_ =	strace $0x90000048  }
0xbe: {  	_ =	sfence  }
0xbf: {  	s30 =	sld [smem:$0x0];
	_ =	sdelay $0x2  }
0xc0: {  	s31 =	sshll.u32 s1, $0xD;
	s1 =	sshrl.u32 s1, $0x2  }
0xc1: {  	s3 =	sand.u32 $0x4000, s31;
	s1 =	sadd.s32 s1, s30  }
0xc2: {  	s0 =	sor.u32 s3, s0;
	s1 =	sshll.u32 s1, $0x11  }
0xc3: {  	s0 =	sor.u32 s1, s0  }
0xc4: {  	s0 =	sadd.s32 $0x8F2B, s0  }
0xc5: {  	[sflag:s0] =	ssyncadd.remote.s32 $0x1  }
0xc6: {  	_ =	sfence.sel $0xFFFF  }
0xc7: {  	[dreg:$0x0] =	wrdreg $0xFFFFFFFF;
	(pc) =	sbr.abs _section_cstart, $3  }
0xc8: {  	[dreg:$0x1] =	wrdreg $0xFFFFFFFF  }
0xc9: {  	_ =	task.clear_ibuf [dreg:s8], $0x2FFFF;
	_ =	strace $0x9FFFFFFF  }
0xca: {  	(tm) =	ssettm $0x7FFFFFFF  }
0xcb: {  	_ =	shalt  }
tec
execute0_lowered:
.L_overlay_start_1:
0x0: {  	(tag) =	ssettag $0x1  }
0x1: {  	s1 =	rddreg [dreg:$0x0]  }
0x2: {  	s0 =	rddreg [dreg:$0x1]  }
0x3: {  	s2 =	rddreg [dreg:$0x2];
	s8 =	stileid.u32  }
0x4: {  	s4 =	srdreg.scid;
	s3 =	rddreg [dreg:$0x3]  }
0x5: {  	s16 =	simm.s32 $0x6;
	s17 =	simm.s32 $0xC400;
	s18 =	simm.s32 $0x5  }
0x6: {  	s19 =	simm.s32 $0x80;
	s20 =	simm.s32 $0x3C00;
	s5 =	smul.u32 $0x13, s8  }
0x7: {  	s21 =	simm.s32 $0x7C00;
	s22 =	simm.s32 $0x1;
	s7 =	smul.u32 $0x3C, s8  }
0x8: {  	s6 =	sand.u32 $0x1, s4;
	s10 =	smul.u32 $0x2780, s8;
	s24 =	sadd.s32 $0x27F000, s0  }
0x9: {  	p0 =	seq.s32 s6, $0x0;
	s23 =	smul.u32 $0x27800, s6;
	s6 =	ssub.s32 $0x2, s6  }
0xa: {  	s4 =	sadd.s32 $0x3C0, s5;
	s5 =	simm.s32 $0x0;
	s28 =	sshrl.u32 s6, $0x1  }
0xb: {  	s4 =	smov.u32 @p0 s7;
	[smem:$0x7FF] =	sst s5;
	s8 =	sadd.s32 s10, s23  }
0xc: {  	s6 =	ssub.s32 s6, s28;
	s10 =	sadd.s32 s10, s3;
	s23 =	simm.s32 $0x2  }
0xd: {  	s7 =	sshll.u32 s4, $0x4;
	_ =	strace $0x80000047;
	[dreg:$0x5] =	wrdreg s24  }
0xe: {  	s25 =	sshll.u32 s4, $0xB;
	s26 =	sshrl.u32 s8, $0x3;
	s31 =	sshll.u32 s4, $0x8  }
0xf: {  	s12 =	smax.u32 s6, $0x1;
	s24 =	simm.s32 $0x3;
	s9 =	sadd.s32 s7, s0  }
0x10: {  	s15 =	sadd.s32 s25, s0;
	s0 =	sadd.s32 s26, s0;
	s7 =	simm.s32 $0x3C  }
0x11: {  	s13 =	sadd.s32 s31, s2;
	s25 =	simm.s32 $0x4;
	s29 =	sadd.s32 $0x279C00, s9  }
0x12: {  	s26 =	simm.s32 $0x0;
	s30 =	sadd.s32 $0x274800, s9;
	[dreg:$0x6] =	wrdreg s29  }
0x13: {  	s7 =	simm.s32 @!p0 $0x13;
	s0 =	sadd.s32 $0x76F600, s0;
	[dreg:$0x7] =	wrdreg s30  }
0x14: {  	s14 =	sadd.s32 $0x4F7600, s15;
	s15 =	sadd.s32 $0x27F600, s15;
	[dreg:$0x8] =	wrdreg s0  }
.LBB2_1:
0x15: {  	s0 =	rddreg [dreg:$0x6]  }
0x16: {  	[tilespmem:s5], [sflag:$0x6] =	stream.linear.gather [hbm4b:s0+s5], $0x1E00, $0x38;
	[tilespmem:$0x11300] =	vst v63  }
0x17: {  	_ =	swait.ge [sflag:s16], $0x1E00  }
0x18: {  	[sflag:s16] =	ssyncset.done $0x0  }
0x19: {  	s0 =	simm.s32 $0x1E00;
	s2 =	rddreg [dreg:$0x7];
	[sflag:s16] =	ssyncadd.s32 $0xFFFFE200  }
0x1a: {  	[tilespmem:s0], [sflag:$0x6] =	stream.linear.gather [hbm4b:s2+s5], $0x1E00, $0x38;
	[tilespmem:$0x11300] =	vst v63  }
0x1b: {  	_ =	swait.ge [sflag:s16], $0x1E00  }
0x1c: {  	[sflag:s16] =	ssyncset.done $0x0  }
0x1d: {  	s11 =	rddreg [dreg:$0x5];
	[sflag:s16] =	ssyncadd.s32 $0xFFFFE200  }
0x1e: {  	[tilespmem:s17], [sflag:$0x5] =	stream.linear.gather [hbm4b:s11+s5], $0x2780, $0x38;
	[tilespmem:$0x11300] =	vst v63  }
0x1f: {  	_ =	swait.ge [sflag:s18], $0x2780  }
0x20: {  	[sflag:s18] =	ssyncset.done $0x0  }
0x21: {  	[sflag:s18] =	ssyncadd.s32 $0xFFFFD880  }
0x22: {  	[spmem:s10] =	stream.linear.scatter [tilespmem:s17], [sflag:$0x6], $0x2780, $0x38;
	[tilespmem:$0x11300] =	vst v63  }
0x23: {  	_ =	swait.ge [sflag:s16], $0x2780  }
0x24: {  	[sflag:s16] =	ssyncset.done $0x0  }
0x25: {  	[sflag:s16] =	ssyncadd.s32 $0xFFFFD880  }
0x26: {  	[bflag:$0x0] =	sbarrier.arrive $0xFFFF  }
0x27: {  	[tilespmem:s20], [sflag:$0x1] =	stream.indirect.gather [hbm4b:s1+s19], $0x80, s5, s19, $0xb8;
	[tilespmem:$0x11300] =	vst v63  }
0x28: {  	p0 =	sgt.u32 s4, $0x4E1  }
0x29: {  	[tilespmem:s21], [sflag:$0x2] =	stream.indirect.gather [hbm4b:s1+s19], $0x80, s0, s19, $0xb8;
	[tilespmem:$0x11300] =	vst v63  }
0x2a: {  	s6 =	simm.s32 @!p0 $0xBC00;
	s28 =	simm.s32 @!p0 $0x5;
	s2 =	simm.s32 @!p0 $0x0  }
0x2b: {  	[tilespmem:s6], [sflag:$0x5] =	stream.linear.gather @!p0 [hbm4b:s13+s2], $0x800, $0x38;
	[tilespmem:$0x11300] =	vst v63  }
0x2c: {  	_ =	swait.ge @!p0 [sflag:s28], $0x800  }
0x2d: {  	[sflag:s28] =	ssyncset.done @!p0 $0x0  }
0x2e: {  	[sflag:s28] =	ssyncadd.s32 @!p0 $0xFFFFF800  }
0x2f: {  	_ =	swait.ge [sflag:s22], $0x4000  }
0x30: {  	[sflag:s22] =	ssyncset.done $0x0  }
0x31: {  	[sflag:s22] =	ssyncadd.s32 $0xFFFFC000  }
0x32: {  	[hbm4b:s15+s5] =	stream.linear.scatter [tilespmem:s20], [sflag:$0x3], $0x4000, $0x38;
	[tilespmem:$0x11300] =	vst v63  }
0x33: {  	_ =	swait.ge [sflag:s23], $0x4000  }
0x34: {  	[sflag:s23] =	ssyncset.done $0x0  }
0x35: {  	[sflag:s23] =	ssyncadd.s32 $0xFFFFC000  }
0x36: {  	[hbm4b:s14+s5] =	stream.linear.scatter [tilespmem:s21], [sflag:$0x4], $0x4000, $0x38;
	[tilespmem:$0x11300] =	vst v63  }
0x37: {  	s2 =	simm.s32 @!p0 $0x80;
	s28 =	simm.s32 @!p0 $0x6  }
0x38: {  	[spmem:s3] =	stream.indirect.scatter.add.f32 @!p0 [tilespmem:s6], [sflag:$0x6], $0x10, s0, s2, $0xb8;
	[tilespmem:$0x11300] =	vst v63  }
0x39: {  	_ =	swait.ge @!p0 [sflag:s28], $0x800  }
0x3a: {  	[sflag:s28] =	ssyncset.done @!p0 $0x0  }
0x3b: {  	[sflag:s28] =	ssyncadd.s32 @!p0 $0xFFFFF800;
	s28 =	sadd.s32 $0xFFFFFFFF, s7  }
0x3c: {  	p0 =	sne.s32 s28, $0x0  }
.Ltmp0:
0x3d: {  	_ =	swait.ge [sflag:s24], $0x4000;
	(pc) =	sbr.rel @!p0 .LBB2_3-.Ltmp0, $4  }
0x3e: {  	[sflag:s24] =	ssyncset.done $0x0  }
0x3f: {  	s29 =	sadd.s32 $0x1, s4;
	s30 =	sadd.s32 $0x800, s14;
	[sflag:s24] =	ssyncadd.s32 $0xFFFFC000  }
0x40: {  	s31 =	sadd.s32 $0x800, s15;
	s2 =	simm.s32 $0x1E80;
	_ =	swait.ge [sflag:s25], $0x4000  }
0x41: {  	s0 =	sadd.s32 $0x100, s13;
	s6 =	simm.s32 $0x0;
	[sflag:s25] =	ssyncset.done $0x0  }
.LBB2_2:
0x42: {  	s28 =	sadd.s32 $0xFFFFFFFF, s28;
	[sflag:s25] =	ssyncadd.s32 $0xFFFFC000;
	s6 =	sadd.s32 $0x80, s6  }
0x43: {  	[tilespmem:s20], [sflag:$0x1] =	stream.indirect.gather [hbm4b:s1+s19], $0x80, s6, s19, $0xb8;
	[tilespmem:$0x11300] =	vst v63  }
0x44: {  	p1 =	sgt.u32 s29, $0x4E1;
	p0 =	sne.s32 s28, $0x0  }
0x45: {  	[tilespmem:s21], [sflag:$0x2] =	stream.indirect.gather [hbm4b:s1+s19], $0x80, s2, s19, $0xb8;
	[tilespmem:$0x11300] =	vst v63  }
0x46: {  	s8 =	simm.s32 @!p1 $0x0;
	s9 =	simm.s32 @!p1 $0xBC00;
	s11 =	simm.s32 @!p1 $0x5  }
0x47: {  	[tilespmem:s9], [sflag:$0x5] =	stream.linear.gather @!p1 [hbm4b:s0+s8], $0x800, $0x38;
	[tilespmem:$0x11300] =	vst v63  }
0x48: {  	_ =	swait.ge @!p1 [sflag:s11], $0x800  }
0x49: {  	[sflag:s11] =	ssyncset.done @!p1 $0x0  }
0x4a: {  	[sflag:s11] =	ssyncadd.s32 @!p1 $0xFFFFF800  }
0x4b: {  	_ =	swait.ge [sflag:s22], $0x4000  }
0x4c: {  	[sflag:s22] =	ssyncset.done $0x0  }
0x4d: {  	[sflag:s22] =	ssyncadd.s32 $0xFFFFC000  }
0x4e: {  	[hbm4b:s31+s5] =	stream.linear.scatter [tilespmem:s20], [sflag:$0x3], $0x4000, $0x38;
	[tilespmem:$0x11300] =	vst v63  }
0x4f: {  	_ =	swait.ge [sflag:s23], $0x4000  }
0x50: {  	[sflag:s23] =	ssyncset.done $0x0  }
0x51: {  	[sflag:s23] =	ssyncadd.s32 $0xFFFFC000  }
0x52: {  	[hbm4b:s30+s5] =	stream.linear.scatter [tilespmem:s21], [sflag:$0x4], $0x4000, $0x38;
	[tilespmem:$0x11300] =	vst v63  }
0x53: {  	s8 =	simm.s32 @!p1 $0x80;
	s11 =	simm.s32 @!p1 $0x6  }
0x54: {  	[spmem:s3] =	stream.indirect.scatter.add.f32 @!p1 [tilespmem:s9], [sflag:$0x6], $0x10, s2, s8, $0xb8;
	[tilespmem:$0x11300] =	vst v63  }
0x55: {  	_ =	swait.ge @!p1 [sflag:s11], $0x800  }
0x56: {  	[sflag:s11] =	ssyncset.done @!p1 $0x0  }
0x57: {  	[sflag:s11] =	ssyncadd.s32 @!p1 $0xFFFFF800  }
.Ltmp1:
0x58: {  	_ =	swait.ge [sflag:s24], $0x4000;
	(pc) =	sbr.rel @p0 .LBB2_2-.Ltmp1, $4  }
0x59: {  	[sflag:s24] =	ssyncset.done $0x0  }
0x5a: {  	s29 =	sadd.s32 $0x1, s29;
	[sflag:s24] =	ssyncadd.s32 $0xFFFFC000  }
0x5b: {  	s31 =	sadd.s32 $0x800, s31;
	s30 =	sadd.s32 $0x800, s30;
	_ =	swait.ge [sflag:s25], $0x4000  }
0x5c: {  	s0 =	sadd.s32 $0x100, s0;
	s2 =	sadd.s32 $0x80, s2;
	[sflag:s25] =	ssyncset.done $0x0  }
.LBB2_3:
0x5d: {  	[sflag:s25] =	ssyncadd.s32 $0xFFFFC000  }
0x5e: {  	[bflag:$0x0] =	sbarrier.arrive $0xFFFF  }
0x5f: {  	[tilespmem:s17], [sflag:$0x6] =	stream.linear.gather [spmem:s10], $0x2780, $0x38;
	[tilespmem:$0x11300] =	vst v63  }
0x60: {  	s26 =	sadd.s32 $0x1, s26;
	_ =	swait.ge [sflag:s16], $0x2780  }
0x61: {  	p0 =	sne.s32 s26, s12;
	[sflag:s16] =	ssyncset.done $0x0  }
.Ltmp2:
0x62: {  	s0 =	rddreg [dreg:$0x8];
	[sflag:s16] =	ssyncadd.s32 $0xFFFFD880;
	(pc) =	sbr.rel @p0 .LBB2_1-.Ltmp2, $4  }
0x63: {  	[hbm4b:s0+s5] =	stream.linear.scatter [tilespmem:s17], [sflag:$0x6], $0x2780, $0x38;
	[tilespmem:$0x11300] =	vst v63  }
0x64: {  	_ =	swait.ge [sflag:s16], $0x2780  }
0x65: {  	[sflag:s16] =	ssyncset.done $0x0  }
0x66: {  	[sflag:s16] =	ssyncadd.s32 $0xFFFFD880  }
0x67: {  	_ =	sfence.sel $0x180000  }
0x68: {  	[bflag:$0x0] =	sbarrier.arrive $0xFFFF  }
0x69: {  	_ =	strace $0x90000047  }
0x6a: {  	s0 =	stileid.u32;
	[bflag:$0x2] =	sbarrier.arrive $0xFFFF  }
0x6b: {  	p0 =	sne.s32 s0, $0x0;
	s0 =	rddreg [dreg:$0x4]  }
0x6c: {  	s0 =	sadd.s32 @!p0 $0x100000, s0  }
0x6d: {  	[sflag:s0] =	ssyncadd.tile.s32 @!p0 $0x1;
	_ =	shalt  }
.Lfunc_end2:
_tile_overlayer_lowered:
.L_overlay_start_2:
0x6e: {  	(tag) =	ssettag $0x2  }
0x6f: {  	s0 =	rddreg [dreg:$0x0];
	s2 =	stileid.u32  }
0x70: {  	s1 =	rddreg [dreg:$0x1];
	p0 =	sne.s32 s2, $0x0  }
0x71: {  	s3 =	rddreg [dreg:$0x2];
	[bflag:$0x3] =	sbarrier.arrive $0xFFFF;
	s2 =	simm.s32 @!p0 $0x1C06  }
0x72: {  	[timem:s3], [sflag:s2] =	dma.local @!p0 [hbm:s0], s1  }
0x73: {  	s0 =	simm.s32 @!p0 $0x6  }
0x74: {  	_ =	swait.ge @!p0 [sflag:s0], s1  }
0x75: {  	s1 =	ssub.s32 @!p0 $0x0, s1;
	[sflag:s0] =	ssyncset.done @!p0 $0x0  }
0x76: {  	[sflag:s0] =	ssyncadd.s32 @!p0 s1  }
0x77: {  	[bflag:$0x3] =	sbarrier.arrive $0xFFFF  }
0x78: {  	_ =	shalt  }

</sc_bundles>
